<compile_context>
chip_gen: v7x
topology: tpu7x:2x2x1
jax: 0.10.2.dev20260603
libtpu: 0.0.44.dev20260713+nightly
codegen_flags: <defaults>
</compile_context>

<pallas_src>
import functools

import jax
import jax.numpy as jnp
from jax import lax
from jax.experimental import pallas as pl
from jax.experimental.pallas import tpu as pltpu
from jax.experimental.pallas import tpu_sc as plsc

NC = 2
NS = 16
NW = NC * NS
LANES = 16

CHUNK = 40


def _make_sc_kernel(e: int, d: int):
    e_per_w = e // NW
    n_chunks = e_per_w // CHUNK
    n_pairs = n_chunks // 2
    mesh = plsc.VectorSubcoreMesh(core_axis_name="c", subcore_axis_name="s")

    @functools.partial(
        pl.kernel,
        mesh=mesh,
        out_type=jax.ShapeDtypeStruct((e, d), jnp.float32),
        scratch_types=[
            pltpu.VMEM((2, CHUNK), jnp.int32),
            pltpu.VMEM((2, CHUNK), jnp.int32),
            pltpu.VMEM((2, CHUNK, d), jnp.float32),
            pltpu.VMEM((2, CHUNK, d), jnp.float32),
            pltpu.SemaphoreType.DMA,
            pltpu.SemaphoreType.DMA,
            pltpu.SemaphoreType.DMA,
            pltpu.SemaphoreType.DMA,
            pltpu.SemaphoreType.DMA,
            pltpu.SemaphoreType.DMA,
            pltpu.SemaphoreType.DMA,
            pltpu.SemaphoreType.DMA,
        ],
    )
    def k(z_hbm, x_hbm, src_hbm, dst_hbm, out_hbm, idx_s, idx_d, zr, xr,
          gz0, gx0, gz1, gx1, o0, o1, i0, i1):
        gz = (gz0, gz1)
        gx = (gx0, gx1)
        osem = (o0, o1)
        isem = (i0, i1)
        wid = lax.axis_index("s") * NC + lax.axis_index("c")
        base = wid * e_per_w

        def start_idx(off, b):
            pltpu.async_copy(src_hbm.at[pl.ds(off, CHUNK)], idx_s.at[b], isem[b])
            pltpu.async_copy(dst_hbm.at[pl.ds(off, CHUNK)], idx_d.at[b], isem[b])

        def wait_idx(b):
            pltpu.make_async_copy(
                src_hbm.at[pl.ds(0, CHUNK)], idx_s.at[b], isem[b]).wait()
            pltpu.make_async_copy(
                dst_hbm.at[pl.ds(0, CHUNK)], idx_d.at[b], isem[b]).wait()

        def start_gather(b):
            pltpu.async_copy(z_hbm.at[idx_s.at[b]], zr.at[b], gz[b])
            pltpu.async_copy(x_hbm.at[idx_d.at[b]], xr.at[b], gx[b])

        def wait_gather(b):
            pltpu.make_async_copy(z_hbm.at[idx_s.at[b]], zr.at[b], gz[b]).wait()
            pltpu.make_async_copy(x_hbm.at[idx_d.at[b]], xr.at[b], gx[b]).wait()

        def wait_write(b):
            pltpu.make_async_copy(
                zr.at[b], out_hbm.at[pl.ds(0, CHUNK)], osem[b]).wait()

        def compute(b):
            def row_body(r, c2):
                for cc in range(d // LANES):
                    sl = pl.ds(cc * LANES, LANES)
                    zr[b, r, sl] = zr[b, r, sl] * xr[b, r, sl]
                return c2

            lax.fori_loop(0, CHUNK, row_body, 0, unroll=False)

        pltpu.sync_copy(src_hbm.at[pl.ds(base, CHUNK)], idx_s.at[0])
        pltpu.sync_copy(dst_hbm.at[pl.ds(base, CHUNK)], idx_d.at[0])
        start_gather(0)
        start_idx(base + CHUNK, 1)

        def chunk_body(p, b, off):
            nb = 1 - b

            if b == 0:
                @pl.when(p > 0)
                def _():
                    wait_write(nb)
            else:
                wait_write(nb)

            def advance():
                wait_idx(nb)
                start_gather(nb)

            if b == 0:
                advance()
            else:
                pl.when(p < n_pairs - 1)(advance)

            wait_gather(b)

            @pl.when(p < n_pairs - 1)
            def _():
                start_idx(off + 2 * CHUNK, b)

            compute(b)
            pltpu.async_copy(zr.at[b], out_hbm.at[pl.ds(off, CHUNK)], osem[b])

        def pair_body(p, carry):
            off0 = base + (2 * p) * CHUNK
            chunk_body(p, 0, off0)
            chunk_body(p, 1, off0 + CHUNK)
            return carry

        lax.fori_loop(0, n_pairs, pair_body, 0, unroll=False)
        wait_write(1)

    return k


def kernel(z, x, edge_index):
    e = edge_index.shape[1]
    d = z.shape[1]
    src = edge_index[0].astype(jnp.int32)
    dst = edge_index[1].astype(jnp.int32)
    return _make_sc_kernel(e, d)(z, x, src, dst)

# --- scband reference (transcript-rebuilt; emitter-appended) ---
"""Pipeline reference for scband-dot-product-decoder-3135326126345 (READ-ONLY COPY).

The authoritative reference and input builder live on the scoring server;
editing this copy changes nothing except your own understanding.
"""

import jax, jax.numpy as jnp
import numpy as np

N_NODES = 10000
N_EDGES = 320000
D_FEAT = 128

def setup_inputs(seed: int = 0) -> dict:
    key = jax.random.key(seed)
    k1, k2, k3 = jax.random.split(key, 3)
    z = jax.random.normal(k1, (N_NODES, D_FEAT), dtype=jnp.float32)
    x = jax.random.normal(k2, (N_NODES, D_FEAT), dtype=jnp.float32)
    edge_index = jax.random.randint(k3, (2, N_EDGES), 0, N_NODES, dtype=jnp.int64)
    return {"z": z, "x": x, "edge_index": edge_index}

def reference(z, x, edge_index):
    # DGL fn.u_mul_v('z', 'x', 'dot'): per-edge elementwise product of
    # source-node feature z and destination-node feature x.
    src = edge_index[0]
    dst = edge_index[1]
    z_src = jnp.take(z, src, axis=0)   # gather source node features [E, d]
    x_dst = jnp.take(x, dst, axis=0)   # gather dest node features   [E, d]
    logits = z_src * x_dst             # [E, d]
    return logits

if __name__ == "__main__":
    import jax
    _d = setup_inputs()
    print(jax.jit(kernel)(*tuple(_d.values())))

</pallas_src>

<mosaic_0001>
#map = affine_map<(d0, d1) -> (0, 0)>
#map1 = affine_map<(d0, d1) -> (0)>
module attributes {stable_mosaic.version = 14 : i64} {
  func.func @k(%arg0: i32, %arg1: i32, %arg2: memref<10000x128xf32, #tpu.memory_space<hbm>>, %arg3: memref<10000x128xf32, #tpu.memory_space<hbm>>, %arg4: memref<320000xi32, #tpu.memory_space<hbm>>, %arg5: memref<320000xi32, #tpu.memory_space<hbm>>, %arg6: memref<320000x128xf32, #tpu.memory_space<hbm>>, %arg7: memref<2x40xi32, #tpu.memory_space<vmem>>, %arg8: memref<2x40xi32, #tpu.memory_space<vmem>>, %arg9: memref<2x40x128xf32, #tpu.memory_space<vmem>>, %arg10: memref<2x40x128xf32, #tpu.memory_space<vmem>>, %arg11: memref<!tpu.dma_semaphore, #tpu.memory_space<semaphore_mem>>, %arg12: memref<!tpu.dma_semaphore, #tpu.memory_space<semaphore_mem>>, %arg13: memref<!tpu.dma_semaphore, #tpu.memory_space<semaphore_mem>>, %arg14: memref<!tpu.dma_semaphore, #tpu.memory_space<semaphore_mem>>, %arg15: memref<!tpu.dma_semaphore, #tpu.memory_space<semaphore_mem>>, %arg16: memref<!tpu.dma_semaphore, #tpu.memory_space<semaphore_mem>>, %arg17: memref<!tpu.dma_semaphore, #tpu.memory_space<semaphore_mem>>, %arg18: memref<!tpu.dma_semaphore, #tpu.memory_space<semaphore_mem>>) attributes {dimension_semantics = [#tpu.dimension_semantics<core_parallel>, #tpu.dimension_semantics<subcore_parallel>], iteration_bounds = array<i64: 2, 16>, scalar_prefetch = 0 : i64, scratch_operands = 12 : i64, tpu.core_type = #tpu.core_type<sc_vector_subcore>, window_params = [{transform_indices = #map}, {transform_indices = #map}, {transform_indices = #map1}, {transform_indices = #map1}, {transform_indices = #map}]} {
    %mul3A = arith.constant 2 : i32
    %mul3A_0 = arith.muli %arg1, %mul3A : i32
    %add3A = arith.addi %mul3A_0, %arg0 : i32
    %mul3A_1 = arith.constant 10000 : i32
    %mul3A_2 = arith.muli %add3A, %mul3A_1 : i32
    %run_scoped3A = arith.constant 0 : i32
    "tpu.region"() ({
      %run_scoped3A_66 = tpu.sem_alloc : memref<!tpu.dma_semaphore, #tpu.memory_space<semaphore_mem>>
      %dma_start3A_67 = arith.constant 0 : i32
      %dma_start3A_68 = tpu.memref_slice %arg7[%run_scoped3A, %dma_start3A_67] : memref<2x40xi32, #tpu.memory_space<vmem>> -> memref<1x40xi32, #tpu.memory_space<vmem>>
      %dma_start3A_69 = tpu.memref_squeeze %dma_start3A_68 : memref<1x40xi32, #tpu.memory_space<vmem>> -> memref<40xi32, #tpu.memory_space<vmem>>
      %dma_start3A_70 = tpu.memref_slice %arg4[%mul3A_2] : memref<320000xi32, #tpu.memory_space<hbm>> -> memref<40xi32, #tpu.memory_space<hbm>>
      %dma_start3A_71 = arith.constant 0 : i32
      %dma_start3A_72 = tpu.memref_slice %arg7[%run_scoped3A, %dma_start3A_71] : memref<2x40xi32, #tpu.memory_space<vmem>> -> memref<1x40xi32, #tpu.memory_space<vmem>>
      %dma_start3A_73 = tpu.memref_squeeze %dma_start3A_72 : memref<1x40xi32, #tpu.memory_space<vmem>> -> memref<40xi32, #tpu.memory_space<vmem>>
      %dma_start3A_74 = tpu.memref_slice %arg4[%mul3A_2] : memref<320000xi32, #tpu.memory_space<hbm>> -> memref<40xi32, #tpu.memory_space<hbm>>
      tpu.enqueue_dma source(%dma_start3A_74 : memref<40xi32, #tpu.memory_space<hbm>>) target(%dma_start3A_73 : memref<40xi32, #tpu.memory_space<vmem>>) target_semaphore(%run_scoped3A_66 : memref<!tpu.dma_semaphore, #tpu.memory_space<semaphore_mem>>)
      %dma_wait3A_75 = arith.constant 0 : i32
      %dma_wait3A_76 = tpu.memref_slice %arg7[%run_scoped3A, %dma_wait3A_75] : memref<2x40xi32, #tpu.memory_space<vmem>> -> memref<1x40xi32, #tpu.memory_space<vmem>>
      %dma_wait3A_77 = tpu.memref_squeeze %dma_wait3A_76 : memref<1x40xi32, #tpu.memory_space<vmem>> -> memref<40xi32, #tpu.memory_space<vmem>>
      %dma_wait3A_78 = tpu.memref_slice %arg4[%mul3A_2] : memref<320000xi32, #tpu.memory_space<hbm>> -> memref<40xi32, #tpu.memory_space<hbm>>
      %dma_wait3A_79 = arith.constant 0 : i32
      %dma_wait3A_80 = tpu.memref_slice %arg7[%run_scoped3A, %dma_wait3A_79] : memref<2x40xi32, #tpu.memory_space<vmem>> -> memref<1x40xi32, #tpu.memory_space<vmem>>
      %dma_wait3A_81 = tpu.memref_squeeze %dma_wait3A_80 : memref<1x40xi32, #tpu.memory_space<vmem>> -> memref<40xi32, #tpu.memory_space<vmem>>
      %dma_wait3A_82 = tpu.memref_slice %arg4[%mul3A_2] : memref<320000xi32, #tpu.memory_space<hbm>> -> memref<40xi32, #tpu.memory_space<hbm>>
      tpu.wait_dma2 semaphore(%run_scoped3A_66 : memref<!tpu.dma_semaphore, #tpu.memory_space<semaphore_mem>>) src(%dma_wait3A_82 : memref<40xi32, #tpu.memory_space<hbm>>) dst(%dma_wait3A_81 : memref<40xi32, #tpu.memory_space<vmem>>)
      tpu.yield
    }) : () -> ()
    %run_scoped3A_3 = arith.constant 0 : i32
    "tpu.region"() ({
      %run_scoped3A_66 = tpu.sem_alloc : memref<!tpu.dma_semaphore, #tpu.memory_space<semaphore_mem>>
      %dma_start3A_67 = arith.constant 0 : i32
      %dma_start3A_68 = tpu.memref_slice %arg8[%run_scoped3A_3, %dma_start3A_67] : memref<2x40xi32, #tpu.memory_space<vmem>> -> memref<1x40xi32, #tpu.memory_space<vmem>>
      %dma_start3A_69 = tpu.memref_squeeze %dma_start3A_68 : memref<1x40xi32, #tpu.memory_space<vmem>> -> memref<40xi32, #tpu.memory_space<vmem>>
      %dma_start3A_70 = tpu.memref_slice %arg5[%mul3A_2] : memref<320000xi32, #tpu.memory_space<hbm>> -> memref<40xi32, #tpu.memory_space<hbm>>
      %dma_start3A_71 = arith.constant 0 : i32
      %dma_start3A_72 = tpu.memref_slice %arg8[%run_scoped3A_3, %dma_start3A_71] : memref<2x40xi32, #tpu.memory_space<vmem>> -> memref<1x40xi32, #tpu.memory_space<vmem>>
      %dma_start3A_73 = tpu.memref_squeeze %dma_start3A_72 : memref<1x40xi32, #tpu.memory_space<vmem>> -> memref<40xi32, #tpu.memory_space<vmem>>
      %dma_start3A_74 = tpu.memref_slice %arg5[%mul3A_2] : memref<320000xi32, #tpu.memory_space<hbm>> -> memref<40xi32, #tpu.memory_space<hbm>>
      tpu.enqueue_dma source(%dma_start3A_74 : memref<40xi32, #tpu.memory_space<hbm>>) target(%dma_start3A_73 : memref<40xi32, #tpu.memory_space<vmem>>) target_semaphore(%run_scoped3A_66 : memref<!tpu.dma_semaphore, #tpu.memory_space<semaphore_mem>>)
      %dma_wait3A_75 = arith.constant 0 : i32
      %dma_wait3A_76 = tpu.memref_slice %arg8[%run_scoped3A_3, %dma_wait3A_75] : memref<2x40xi32, #tpu.memory_space<vmem>> -> memref<1x40xi32, #tpu.memory_space<vmem>>
      %dma_wait3A_77 = tpu.memref_squeeze %dma_wait3A_76 : memref<1x40xi32, #tpu.memory_space<vmem>> -> memref<40xi32, #tpu.memory_space<vmem>>
      %dma_wait3A_78 = tpu.memref_slice %arg5[%mul3A_2] : memref<320000xi32, #tpu.memory_space<hbm>> -> memref<40xi32, #tpu.memory_space<hbm>>
      %dma_wait3A_79 = arith.constant 0 : i32
      %dma_wait3A_80 = tpu.memref_slice %arg8[%run_scoped3A_3, %dma_wait3A_79] : memref<2x40xi32, #tpu.memory_space<vmem>> -> memref<1x40xi32, #tpu.memory_space<vmem>>
      %dma_wait3A_81 = tpu.memref_squeeze %dma_wait3A_80 : memref<1x40xi32, #tpu.memory_space<vmem>> -> memref<40xi32, #tpu.memory_space<vmem>>
      %dma_wait3A_82 = tpu.memref_slice %arg5[%mul3A_2] : memref<320000xi32, #tpu.memory_space<hbm>> -> memref<40xi32, #tpu.memory_space<hbm>>
      tpu.wait_dma2 semaphore(%run_scoped3A_66 : memref<!tpu.dma_semaphore, #tpu.memory_space<semaphore_mem>>) src(%dma_wait3A_82 : memref<40xi32, #tpu.memory_space<hbm>>) dst(%dma_wait3A_81 : memref<40xi32, #tpu.memory_space<vmem>>)
      tpu.yield
    }) : () -> ()
    %dma_start3A = arith.constant 0 : i32
    %dma_start3A_4 = arith.constant 0 : i32
    %dma_start3A_5 = arith.constant 0 : i32
    %dma_start3A_6 = arith.constant 0 : i32
    %dma_start3A_7 = tpu.memref_slice %arg9[%dma_start3A_4, %dma_start3A_5, %dma_start3A_6] : memref<2x40x128xf32, #tpu.memory_space<vmem>> -> memref<1x40x128xf32, #tpu.memory_space<vmem>>
    %dma_start3A_8 = tpu.memref_squeeze %dma_start3A_7 : memref<1x40x128xf32, #tpu.memory_space<vmem>> -> memref<40x128xf32, #tpu.memory_space<vmem>>
    %dma_start3A_9 = arith.constant 0 : i32
    %dma_start3A_10 = tpu.memref_slice %arg7[%dma_start3A, %dma_start3A_9] : memref<2x40xi32, #tpu.memory_space<vmem>> -> memref<1x40xi32, #tpu.memory_space<vmem>>
    %dma_start3A_11 = tpu.memref_squeeze %dma_start3A_10 : memref<1x40xi32, #tpu.memory_space<vmem>> -> memref<40xi32, #tpu.memory_space<vmem>>
    %dma_start3A_12 = arith.constant 0 : i32
    %dma_start3A_13 = arith.constant 0 : i32
    %dma_start3A_14 = tpu.memref_slice %arg2[%dma_start3A_12, %dma_start3A_13] : memref<10000x128xf32, #tpu.memory_space<hbm>> -> memref<10000x128xf32, #tpu.memory_space<hbm>>
    tpu.enqueue_indirect_dma source(%dma_start3A_14 : memref<10000x128xf32, #tpu.memory_space<hbm>>) target(%dma_start3A_8 : memref<40x128xf32, #tpu.memory_space<vmem>>) offsets(%dma_start3A_11 : memref<40xi32, #tpu.memory_space<vmem>>) semaphore(%arg11 : memref<!tpu.dma_semaphore, #tpu.memory_space<semaphore_mem>>)
    %dma_start3A_15 = arith.constant 0 : i32
    %dma_start3A_16 = arith.constant 0 : i32
    %dma_start3A_17 = arith.constant 0 : i32
    %dma_start3A_18 = arith.constant 0 : i32
    %dma_start3A_19 = tpu.memref_slice %arg10[%dma_start3A_16, %dma_start3A_17, %dma_start3A_18] : memref<2x40x128xf32, #tpu.memory_space<vmem>> -> memref<1x40x128xf32, #tpu.memory_space<vmem>>
    %dma_start3A_20 = tpu.memref_squeeze %dma_start3A_19 : memref<1x40x128xf32, #tpu.memory_space<vmem>> -> memref<40x128xf32, #tpu.memory_space<vmem>>
    %dma_start3A_21 = arith.constant 0 : i32
    %dma_start3A_22 = tpu.memref_slice %arg8[%dma_start3A_15, %dma_start3A_21] : memref<2x40xi32, #tpu.memory_space<vmem>> -> memref<1x40xi32, #tpu.memory_space<vmem>>
    %dma_start3A_23 = tpu.memref_squeeze %dma_start3A_22 : memref<1x40xi32, #tpu.memory_space<vmem>> -> memref<40xi32, #tpu.memory_space<vmem>>
    %dma_start3A_24 = arith.constant 0 : i32
    %dma_start3A_25 = arith.constant 0 : i32
    %dma_start3A_26 = tpu.memref_slice %arg3[%dma_start3A_24, %dma_start3A_25] : memref<10000x128xf32, #tpu.memory_space<hbm>> -> memref<10000x128xf32, #tpu.memory_space<hbm>>
    tpu.enqueue_indirect_dma source(%dma_start3A_26 : memref<10000x128xf32, #tpu.memory_space<hbm>>) target(%dma_start3A_20 : memref<40x128xf32, #tpu.memory_space<vmem>>) offsets(%dma_start3A_23 : memref<40xi32, #tpu.memory_space<vmem>>) semaphore(%arg12 : memref<!tpu.dma_semaphore, #tpu.memory_space<semaphore_mem>>)
    %add3A_27 = arith.constant 40 : i32
    %add3A_28 = arith.addi %mul3A_2, %add3A_27 : i32
    %dma_start3A_29 = arith.constant 1 : i32
    %dma_start3A_30 = arith.constant 0 : i32
    %dma_start3A_31 = tpu.memref_slice %arg7[%dma_start3A_29, %dma_start3A_30] : memref<2x40xi32, #tpu.memory_space<vmem>> -> memref<1x40xi32, #tpu.memory_space<vmem>>
    %dma_start3A_32 = tpu.memref_squeeze %dma_start3A_31 : memref<1x40xi32, #tpu.memory_space<vmem>> -> memref<40xi32, #tpu.memory_space<vmem>>
    %dma_start3A_33 = tpu.memref_slice %arg4[%add3A_28] : memref<320000xi32, #tpu.memory_space<hbm>> -> memref<40xi32, #tpu.memory_space<hbm>>
    %dma_start3A_34 = arith.constant 0 : i32
    %dma_start3A_35 = tpu.memref_slice %arg7[%dma_start3A_29, %dma_start3A_34] : memref<2x40xi32, #tpu.memory_space<vmem>> -> memref<1x40xi32, #tpu.memory_space<vmem>>
    %dma_start3A_36 = tpu.memref_squeeze %dma_start3A_35 : memref<1x40xi32, #tpu.memory_space<vmem>> -> memref<40xi32, #tpu.memory_space<vmem>>
    %dma_start3A_37 = tpu.memref_slice %arg4[%add3A_28] : memref<320000xi32, #tpu.memory_space<hbm>> -> memref<40xi32, #tpu.memory_space<hbm>>
    tpu.enqueue_dma source(%dma_start3A_37 : memref<40xi32, #tpu.memory_space<hbm>>) target(%dma_start3A_36 : memref<40xi32, #tpu.memory_space<vmem>>) target_semaphore(%arg18 : memref<!tpu.dma_semaphore, #tpu.memory_space<semaphore_mem>>)
    %dma_start3A_38 = arith.constant 1 : i32
    %dma_start3A_39 = arith.constant 0 : i32
    %dma_start3A_40 = tpu.memref_slice %arg8[%dma_start3A_38, %dma_start3A_39] : memref<2x40xi32, #tpu.memory_space<vmem>> -> memref<1x40xi32, #tpu.memory_space<vmem>>
    %dma_start3A_41 = tpu.memref_squeeze %dma_start3A_40 : memref<1x40xi32, #tpu.memory_space<vmem>> -> memref<40xi32, #tpu.memory_space<vmem>>
    %dma_start3A_42 = tpu.memref_slice %arg5[%add3A_28] : memref<320000xi32, #tpu.memory_space<hbm>> -> memref<40xi32, #tpu.memory_space<hbm>>
    %dma_start3A_43 = arith.constant 0 : i32
    %dma_start3A_44 = tpu.memref_slice %arg8[%dma_start3A_38, %dma_start3A_43] : memref<2x40xi32, #tpu.memory_space<vmem>> -> memref<1x40xi32, #tpu.memory_space<vmem>>
    %dma_start3A_45 = tpu.memref_squeeze %dma_start3A_44 : memref<1x40xi32, #tpu.memory_space<vmem>> -> memref<40xi32, #tpu.memory_space<vmem>>
    %dma_start3A_46 = tpu.memref_slice %arg5[%add3A_28] : memref<320000xi32, #tpu.memory_space<hbm>> -> memref<40xi32, #tpu.memory_space<hbm>>
    tpu.enqueue_dma source(%dma_start3A_46 : memref<40xi32, #tpu.memory_space<hbm>>) target(%dma_start3A_45 : memref<40xi32, #tpu.memory_space<vmem>>) target_semaphore(%arg18 : memref<!tpu.dma_semaphore, #tpu.memory_space<semaphore_mem>>)
    %scan3A = arith.constant 0 : i32
    %scan3A_47 = arith.constant 0 : i32
    %scan3A_48 = arith.constant 125 : i32
    %scan3A_49 = arith.addi %scan3A_47, %scan3A_48 : i32
    %scan3A_50 = arith.constant 1 : i32
    scf.for %scan3A_66 = %scan3A_47 to %scan3A_49 step %scan3A_50  : i32 {
      %mul3A_67 = arith.constant 2 : i32
      %mul3A_68 = arith.muli %mul3A_67, %scan3A_66 : i32
      %mul3A_69 = arith.constant 40 : i32
      %mul3A_70 = arith.muli %mul3A_68, %mul3A_69 : i32
      %add3A_71 = arith.addi %mul3A_2, %mul3A_70 : i32
      %gt3A = arith.constant 0 : i32
      %gt3A_72 = arith.cmpi sgt, %scan3A_66, %gt3A : i32
      %convert_element_type3A = arith.extui %gt3A_72 : i1 to i32
      %cond3A = arith.constant 0 : i32
      %cond3A_73 = arith.cmpi ne, %convert_element_type3A, %cond3A : i32
      scf.if %cond3A_73 {
        %dma_wait3A_237 = arith.constant 1 : i32
        %dma_wait3A_238 = arith.constant 0 : i32
        %dma_wait3A_239 = arith.constant 0 : i32
        %dma_wait3A_240 = tpu.memref_slice %arg9[%dma_wait3A_237, %dma_wait3A_238, %dma_wait3A_239] : memref<2x40x128xf32, #tpu.memory_space<vmem>> -> memref<1x40x128xf32, #tpu.memory_space<vmem>>
        %dma_wait3A_241 = tpu.memref_squeeze %dma_wait3A_240 : memref<1x40x128xf32, #tpu.memory_space<vmem>> -> memref<40x128xf32, #tpu.memory_space<vmem>>
        %dma_wait3A_242 = arith.constant 0 : i32
        %dma_wait3A_243 = arith.constant 0 : i32
        %dma_wait3A_244 = tpu.memref_slice %arg6[%dma_wait3A_242, %dma_wait3A_243] : memref<320000x128xf32, #tpu.memory_space<hbm>> -> memref<40x128xf32, #tpu.memory_space<hbm>>
        %dma_wait3A_245 = arith.constant 0 : i32
        %dma_wait3A_246 = arith.constant 0 : i32
        %dma_wait3A_247 = tpu.memref_slice %arg6[%dma_wait3A_245, %dma_wait3A_246] : memref<320000x128xf32, #tpu.memory_space<hbm>> -> memref<40x128xf32, #tpu.memory_space<hbm>>
        %dma_wait3A_248 = arith.constant 0 : i32
        %dma_wait3A_249 = arith.constant 0 : i32
        %dma_wait3A_250 = tpu.memref_slice %arg9[%dma_wait3A_237, %dma_wait3A_248, %dma_wait3A_249] : memref<2x40x128xf32, #tpu.memory_space<vmem>> -> memref<1x40x128xf32, #tpu.memory_space<vmem>>
        %dma_wait3A_251 = tpu.memref_squeeze %dma_wait3A_250 : memref<1x40x128xf32, #tpu.memory_space<vmem>> -> memref<40x128xf32, #tpu.memory_space<vmem>>
        tpu.wait_dma2 semaphore(%arg16 : memref<!tpu.dma_semaphore, #tpu.memory_space<semaphore_mem>>) src(%dma_wait3A_251 : memref<40x128xf32, #tpu.memory_space<vmem>>) dst(%dma_wait3A_247 : memref<40x128xf32, #tpu.memory_space<hbm>>)
      } else {
      }
      %dma_wait3A_74 = arith.constant 1 : i32
      %dma_wait3A_75 = arith.constant 0 : i32
      %dma_wait3A_76 = tpu.memref_slice %arg7[%dma_wait3A_74, %dma_wait3A_75] : memref<2x40xi32, #tpu.memory_space<vmem>> -> memref<1x40xi32, #tpu.memory_space<vmem>>
      %dma_wait3A_77 = tpu.memref_squeeze %dma_wait3A_76 : memref<1x40xi32, #tpu.memory_space<vmem>> -> memref<40xi32, #tpu.memory_space<vmem>>
      %dma_wait3A_78 = arith.constant 0 : i32
      %dma_wait3A_79 = tpu.memref_slice %arg4[%dma_wait3A_78] : memref<320000xi32, #tpu.memory_space<hbm>> -> memref<40xi32, #tpu.memory_space<hbm>>
      %dma_wait3A_80 = arith.constant 0 : i32
      %dma_wait3A_81 = tpu.memref_slice %arg7[%dma_wait3A_74, %dma_wait3A_80] : memref<2x40xi32, #tpu.memory_space<vmem>> -> memref<1x40xi32, #tpu.memory_space<vmem>>
      %dma_wait3A_82 = tpu.memref_squeeze %dma_wait3A_81 : memref<1x40xi32, #tpu.memory_space<vmem>> -> memref<40xi32, #tpu.memory_space<vmem>>
      %dma_wait3A_83 = arith.constant 0 : i32
      %dma_wait3A_84 = tpu.memref_slice %arg4[%dma_wait3A_83] : memref<320000xi32, #tpu.memory_space<hbm>> -> memref<40xi32, #tpu.memory_space<hbm>>
      tpu.wait_dma2 semaphore(%arg18 : memref<!tpu.dma_semaphore, #tpu.memory_space<semaphore_mem>>) src(%dma_wait3A_84 : memref<40xi32, #tpu.memory_space<hbm>>) dst(%dma_wait3A_82 : memref<40xi32, #tpu.memory_space<vmem>>)
      %dma_wait3A_85 = arith.constant 1 : i32
      %dma_wait3A_86 = arith.constant 0 : i32
      %dma_wait3A_87 = tpu.memref_slice %arg8[%dma_wait3A_85, %dma_wait3A_86] : memref<2x40xi32, #tpu.memory_space<vmem>> -> memref<1x40xi32, #tpu.memory_space<vmem>>
      %dma_wait3A_88 = tpu.memref_squeeze %dma_wait3A_87 : memref<1x40xi32, #tpu.memory_space<vmem>> -> memref<40xi32, #tpu.memory_space<vmem>>
      %dma_wait3A_89 = arith.constant 0 : i32
      %dma_wait3A_90 = tpu.memref_slice %arg5[%dma_wait3A_89] : memref<320000xi32, #tpu.memory_space<hbm>> -> memref<40xi32, #tpu.memory_space<hbm>>
      %dma_wait3A_91 = arith.constant 0 : i32
      %dma_wait3A_92 = tpu.memref_slice %arg8[%dma_wait3A_85, %dma_wait3A_91] : memref<2x40xi32, #tpu.memory_space<vmem>> -> memref<1x40xi32, #tpu.memory_space<vmem>>
      %dma_wait3A_93 = tpu.memref_squeeze %dma_wait3A_92 : memref<1x40xi32, #tpu.memory_space<vmem>> -> memref<40xi32, #tpu.memory_space<vmem>>
      %dma_wait3A_94 = arith.constant 0 : i32
      %dma_wait3A_95 = tpu.memref_slice %arg5[%dma_wait3A_94] : memref<320000xi32, #tpu.memory_space<hbm>> -> memref<40xi32, #tpu.memory_space<hbm>>
      tpu.wait_dma2 semaphore(%arg18 : memref<!tpu.dma_semaphore, #tpu.memory_space<semaphore_mem>>) src(%dma_wait3A_95 : memref<40xi32, #tpu.memory_space<hbm>>) dst(%dma_wait3A_93 : memref<40xi32, #tpu.memory_space<vmem>>)
      %dma_start3A_96 = arith.constant 1 : i32
      %dma_start3A_97 = arith.constant 1 : i32
      %dma_start3A_98 = arith.constant 0 : i32
      %dma_start3A_99 = arith.constant 0 : i32
      %dma_start3A_100 = tpu.memref_slice %arg9[%dma_start3A_97, %dma_start3A_98, %dma_start3A_99] : memref<2x40x128xf32, #tpu.memory_space<vmem>> -> memref<1x40x128xf32, #tpu.memory_space<vmem>>
      %dma_start3A_101 = tpu.memref_squeeze %dma_start3A_100 : memref<1x40x128xf32, #tpu.memory_space<vmem>> -> memref<40x128xf32, #tpu.memory_space<vmem>>
      %dma_start3A_102 = arith.constant 0 : i32
      %dma_start3A_103 = tpu.memref_slice %arg7[%dma_start3A_96, %dma_start3A_102] : memref<2x40xi32, #tpu.memory_space<vmem>> -> memref<1x40xi32, #tpu.memory_space<vmem>>
      %dma_start3A_104 = tpu.memref_squeeze %dma_start3A_103 : memref<1x40xi32, #tpu.memory_space<vmem>> -> memref<40xi32, #tpu.memory_space<vmem>>
      %dma_start3A_105 = arith.constant 0 : i32
      %dma_start3A_106 = arith.constant 0 : i32
      %dma_start3A_107 = tpu.memref_slice %arg2[%dma_start3A_105, %dma_start3A_106] : memref<10000x128xf32, #tpu.memory_space<hbm>> -> memref<10000x128xf32, #tpu.memory_space<hbm>>
      tpu.enqueue_indirect_dma source(%dma_start3A_107 : memref<10000x128xf32, #tpu.memory_space<hbm>>) target(%dma_start3A_101 : memref<40x128xf32, #tpu.memory_space<vmem>>) offsets(%dma_start3A_104 : memref<40xi32, #tpu.memory_space<vmem>>) semaphore(%arg13 : memref<!tpu.dma_semaphore, #tpu.memory_space<semaphore_mem>>)
      %dma_start3A_108 = arith.constant 1 : i32
      %dma_start3A_109 = arith.constant 1 : i32
      %dma_start3A_110 = arith.constant 0 : i32
      %dma_start3A_111 = arith.constant 0 : i32
      %dma_start3A_112 = tpu.memref_slice %arg10[%dma_start3A_109, %dma_start3A_110, %dma_start3A_111] : memref<2x40x128xf32, #tpu.memory_space<vmem>> -> memref<1x40x128xf32, #tpu.memory_space<vmem>>
      %dma_start3A_113 = tpu.memref_squeeze %dma_start3A_112 : memref<1x40x128xf32, #tpu.memory_space<vmem>> -> memref<40x128xf32, #tpu.memory_space<vmem>>
      %dma_start3A_114 = arith.constant 0 : i32
      %dma_start3A_115 = tpu.memref_slice %arg8[%dma_start3A_108, %dma_start3A_114] : memref<2x40xi32, #tpu.memory_space<vmem>> -> memref<1x40xi32, #tpu.memory_space<vmem>>
      %dma_start3A_116 = tpu.memref_squeeze %dma_start3A_115 : memref<1x40xi32, #tpu.memory_space<vmem>> -> memref<40xi32, #tpu.memory_space<vmem>>
      %dma_start3A_117 = arith.constant 0 : i32
      %dma_start3A_118 = arith.constant 0 : i32
      %dma_start3A_119 = tpu.memref_slice %arg3[%dma_start3A_117, %dma_start3A_118] : memref<10000x128xf32, #tpu.memory_space<hbm>> -> memref<10000x128xf32, #tpu.memory_space<hbm>>
      tpu.enqueue_indirect_dma source(%dma_start3A_119 : memref<10000x128xf32, #tpu.memory_space<hbm>>) target(%dma_start3A_113 : memref<40x128xf32, #tpu.memory_space<vmem>>) offsets(%dma_start3A_116 : memref<40xi32, #tpu.memory_space<vmem>>) semaphore(%arg14 : memref<!tpu.dma_semaphore, #tpu.memory_space<semaphore_mem>>)
      %dma_wait3A_120 = arith.constant 0 : i32
      %dma_wait3A_121 = arith.constant 0 : i32
      %dma_wait3A_122 = arith.constant 0 : i32
      %dma_wait3A_123 = arith.constant 0 : i32
      %dma_wait3A_124 = tpu.memref_slice %arg9[%dma_wait3A_121, %dma_wait3A_122, %dma_wait3A_123] : memref<2x40x128xf32, #tpu.memory_space<vmem>> -> memref<1x40x128xf32, #tpu.memory_space<vmem>>
      %dma_wait3A_125 = tpu.memref_squeeze %dma_wait3A_124 : memref<1x40x128xf32, #tpu.memory_space<vmem>> -> memref<40x128xf32, #tpu.memory_space<vmem>>
      %dma_wait3A_126 = arith.constant 0 : i32
      %dma_wait3A_127 = tpu.memref_slice %arg7[%dma_wait3A_120, %dma_wait3A_126] : memref<2x40xi32, #tpu.memory_space<vmem>> -> memref<1x40xi32, #tpu.memory_space<vmem>>
      %dma_wait3A_128 = tpu.memref_squeeze %dma_wait3A_127 : memref<1x40xi32, #tpu.memory_space<vmem>> -> memref<40xi32, #tpu.memory_space<vmem>>
      %dma_wait3A_129 = arith.constant 0 : i32
      %dma_wait3A_130 = arith.constant 0 : i32
      %dma_wait3A_131 = tpu.memref_slice %arg2[%dma_wait3A_129, %dma_wait3A_130] : memref<10000x128xf32, #tpu.memory_space<hbm>> -> memref<10000x128xf32, #tpu.memory_space<hbm>>
      tpu.wait_indirect_dma semaphore(%arg11 : memref<!tpu.dma_semaphore, #tpu.memory_space<semaphore_mem>>) src(%dma_wait3A_131 : memref<10000x128xf32, #tpu.memory_space<hbm>>) dst(%dma_wait3A_125 : memref<40x128xf32, #tpu.memory_space<vmem>>)
      %dma_wait3A_132 = arith.constant 0 : i32
      %dma_wait3A_133 = arith.constant 0 : i32
      %dma_wait3A_134 = arith.constant 0 : i32
      %dma_wait3A_135 = arith.constant 0 : i32
      %dma_wait3A_136 = tpu.memref_slice %arg10[%dma_wait3A_133, %dma_wait3A_134, %dma_wait3A_135] : memref<2x40x128xf32, #tpu.memory_space<vmem>> -> memref<1x40x128xf32, #tpu.memory_space<vmem>>
      %dma_wait3A_137 = tpu.memref_squeeze %dma_wait3A_136 : memref<1x40x128xf32, #tpu.memory_space<vmem>> -> memref<40x128xf32, #tpu.memory_space<vmem>>
      %dma_wait3A_138 = arith.constant 0 : i32
      %dma_wait3A_139 = tpu.memref_slice %arg8[%dma_wait3A_132, %dma_wait3A_138] : memref<2x40xi32, #tpu.memory_space<vmem>> -> memref<1x40xi32, #tpu.memory_space<vmem>>
      %dma_wait3A_140 = tpu.memref_squeeze %dma_wait3A_139 : memref<1x40xi32, #tpu.memory_space<vmem>> -> memref<40xi32, #tpu.memory_space<vmem>>
      %dma_wait3A_141 = arith.constant 0 : i32
      %dma_wait3A_142 = arith.constant 0 : i32
      %dma_wait3A_143 = tpu.memref_slice %arg3[%dma_wait3A_141, %dma_wait3A_142] : memref<10000x128xf32, #tpu.memory_space<hbm>> -> memref<10000x128xf32, #tpu.memory_space<hbm>>
      tpu.wait_indirect_dma semaphore(%arg12 : memref<!tpu.dma_semaphore, #tpu.memory_space<semaphore_mem>>) src(%dma_wait3A_143 : memref<10000x128xf32, #tpu.memory_space<hbm>>) dst(%dma_wait3A_137 : memref<40x128xf32, #tpu.memory_space<vmem>>)
      %lt3A = arith.constant 124 : i32
      %lt3A_144 = arith.cmpi slt, %scan3A_66, %lt3A : i32
      %convert_element_type3A_145 = arith.extui %lt3A_144 : i1 to i32
      %cond3A_146 = arith.constant 0 : i32
      %cond3A_147 = arith.cmpi ne, %convert_element_type3A_145, %cond3A_146 : i32
      scf.if %cond3A_147 {
        %add3A_237 = arith.constant 80 : i32
        %add3A_238 = arith.addi %add3A_71, %add3A_237 : i32
        %dma_start3A_239 = arith.constant 0 : i32
        %dma_start3A_240 = arith.constant 0 : i32
        %dma_start3A_241 = tpu.memref_slice %arg7[%dma_start3A_239, %dma_start3A_240] : memref<2x40xi32, #tpu.memory_space<vmem>> -> memref<1x40xi32, #tpu.memory_space<vmem>>
        %dma_start3A_242 = tpu.memref_squeeze %dma_start3A_241 : memref<1x40xi32, #tpu.memory_space<vmem>> -> memref<40xi32, #tpu.memory_space<vmem>>
        %dma_start3A_243 = tpu.memref_slice %arg4[%add3A_238] : memref<320000xi32, #tpu.memory_space<hbm>> -> memref<40xi32, #tpu.memory_space<hbm>>
        %dma_start3A_244 = arith.constant 0 : i32
        %dma_start3A_245 = tpu.memref_slice %arg7[%dma_start3A_239, %dma_start3A_244] : memref<2x40xi32, #tpu.memory_space<vmem>> -> memref<1x40xi32, #tpu.memory_space<vmem>>
        %dma_start3A_246 = tpu.memref_squeeze %dma_start3A_245 : memref<1x40xi32, #tpu.memory_space<vmem>> -> memref<40xi32, #tpu.memory_space<vmem>>
        %dma_start3A_247 = tpu.memref_slice %arg4[%add3A_238] : memref<320000xi32, #tpu.memory_space<hbm>> -> memref<40xi32, #tpu.memory_space<hbm>>
        tpu.enqueue_dma source(%dma_start3A_247 : memref<40xi32, #tpu.memory_space<hbm>>) target(%dma_start3A_246 : memref<40xi32, #tpu.memory_space<vmem>>) target_semaphore(%arg17 : memref<!tpu.dma_semaphore, #tpu.memory_space<semaphore_mem>>)
        %dma_start3A_248 = arith.constant 0 : i32
        %dma_start3A_249 = arith.constant 0 : i32
        %dma_start3A_250 = tpu.memref_slice %arg8[%dma_start3A_248, %dma_start3A_249] : memref<2x40xi32, #tpu.memory_space<vmem>> -> memref<1x40xi32, #tpu.memory_space<vmem>>
        %dma_start3A_251 = tpu.memref_squeeze %dma_start3A_250 : memref<1x40xi32, #tpu.memory_space<vmem>> -> memref<40xi32, #tpu.memory_space<vmem>>
        %dma_start3A_252 = tpu.memref_slice %arg5[%add3A_238] : memref<320000xi32, #tpu.memory_space<hbm>> -> memref<40xi32, #tpu.memory_space<hbm>>
        %dma_start3A_253 = arith.constant 0 : i32
        %dma_start3A_254 = tpu.memref_slice %arg8[%dma_start3A_248, %dma_start3A_253] : memref<2x40xi32, #tpu.memory_space<vmem>> -> memref<1x40xi32, #tpu.memory_space<vmem>>
        %dma_start3A_255 = tpu.memref_squeeze %dma_start3A_254 : memref<1x40xi32, #tpu.memory_space<vmem>> -> memref<40xi32, #tpu.memory_space<vmem>>
        %dma_start3A_256 = tpu.memref_slice %arg5[%add3A_238] : memref<320000xi32, #tpu.memory_space<hbm>> -> memref<40xi32, #tpu.memory_space<hbm>>
        tpu.enqueue_dma source(%dma_start3A_256 : memref<40xi32, #tpu.memory_space<hbm>>) target(%dma_start3A_255 : memref<40xi32, #tpu.memory_space<vmem>>) target_semaphore(%arg17 : memref<!tpu.dma_semaphore, #tpu.memory_space<semaphore_mem>>)
      } else {
      }
      %scan3A_148 = arith.constant 0 : i32
      %scan3A_149 = arith.constant 0 : i32
      %scan3A_150 = arith.constant 40 : i32
      %scan3A_151 = arith.addi %scan3A_149, %scan3A_150 : i32
      %scan3A_152 = arith.constant 1 : i32
      scf.for %scan3A_237 = %scan3A_149 to %scan3A_151 step %scan3A_152  : i32 {
        %get3A = arith.constant 0 : i32
        %get3A_238 = arith.index_cast %get3A : i32 to index
        %get3A_239 = arith.index_cast %scan3A_237 : i32 to index
        %get3A_240 = arith.constant 0 : index
        %get3A_241 = tpu.vector_load %arg9[%get3A_238, %get3A_239, %get3A_240] {strides = array<i32>} : memref<2x40x128xf32, #tpu.memory_space<vmem>>, vector<1x1x16xf32>,
        %get3A_242 = vector.shape_cast %get3A_241 : vector<1x1x16xf32> to vector<16xf32>
        %get3A_243 = arith.constant 0 : i32
        %get3A_244 = arith.index_cast %get3A_243 : i32 to index
        %get3A_245 = arith.index_cast %scan3A_237 : i32 to index
        %get3A_246 = arith.constant 0 : index
        %get3A_247 = tpu.vector_load %arg10[%get3A_244, %get3A_245, %get3A_246] {strides = array<i32>} : memref<2x40x128xf32, #tpu.memory_space<vmem>>, vector<1x1x16xf32>,
        %get3A_248 = vector.shape_cast %get3A_247 : vector<1x1x16xf32> to vector<16xf32>
        %mul3A_249 = arith.mulf %get3A_242, %get3A_248 : vector<16xf32>
        %swap3A = arith.constant 0 : i32
        %swap3A_250 = arith.index_cast %swap3A : i32 to index
        %swap3A_251 = arith.index_cast %scan3A_237 : i32 to index
        %swap3A_252 = arith.constant 0 : index
        %swap3A_253 = tpu.vector_load %arg9[%swap3A_250, %swap3A_251, %swap3A_252] {strides = array<i32>} : memref<2x40x128xf32, #tpu.memory_space<vmem>>, vector<1x1x16xf32>,
        %swap3A_254 = vector.shape_cast %swap3A_253 : vector<1x1x16xf32> to vector<16xf32>
        %swap3A_255 = vector.shape_cast %mul3A_249 : vector<16xf32> to vector<1x1x16xf32>
        tpu.vector_store %arg9[%swap3A_250, %swap3A_251, %swap3A_252], %swap3A_255 {strides = array<i32>} : memref<2x40x128xf32, #tpu.memory_space<vmem>>, vector<1x1x16xf32>,
        %get3A_256 = arith.constant 0 : i32
        %get3A_257 = arith.index_cast %get3A_256 : i32 to index
        %get3A_258 = arith.index_cast %scan3A_237 : i32 to index
        %get3A_259 = arith.constant 16 : index
        %get3A_260 = tpu.vector_load %arg9[%get3A_257, %get3A_258, %get3A_259] {strides = array<i32>} : memref<2x40x128xf32, #tpu.memory_space<vmem>>, vector<1x1x16xf32>,
        %get3A_261 = vector.shape_cast %get3A_260 : vector<1x1x16xf32> to vector<16xf32>
        %get3A_262 = arith.constant 0 : i32
        %get3A_263 = arith.index_cast %get3A_262 : i32 to index
        %get3A_264 = arith.index_cast %scan3A_237 : i32 to index
        %get3A_265 = arith.constant 16 : index
        %get3A_266 = tpu.vector_load %arg10[%get3A_263, %get3A_264, %get3A_265] {strides = array<i32>} : memref<2x40x128xf32, #tpu.memory_space<vmem>>, vector<1x1x16xf32>,
        %get3A_267 = vector.shape_cast %get3A_266 : vector<1x1x16xf32> to vector<16xf32>
        %mul3A_268 = arith.mulf %get3A_261, %get3A_267 : vector<16xf32>
        %swap3A_269 = arith.constant 0 : i32
        %swap3A_270 = arith.index_cast %swap3A_269 : i32 to index
        %swap3A_271 = arith.index_cast %scan3A_237 : i32 to index
        %swap3A_272 = arith.constant 16 : index
        %swap3A_273 = tpu.vector_load %arg9[%swap3A_270, %swap3A_271, %swap3A_272] {strides = array<i32>} : memref<2x40x128xf32, #tpu.memory_space<vmem>>, vector<1x1x16xf32>,
        %swap3A_274 = vector.shape_cast %swap3A_273 : vector<1x1x16xf32> to vector<16xf32>
        %swap3A_275 = vector.shape_cast %mul3A_268 : vector<16xf32> to vector<1x1x16xf32>
        tpu.vector_store %arg9[%swap3A_270, %swap3A_271, %swap3A_272], %swap3A_275 {strides = array<i32>} : memref<2x40x128xf32, #tpu.memory_space<vmem>>, vector<1x1x16xf32>,
        %get3A_276 = arith.constant 0 : i32
        %get3A_277 = arith.index_cast %get3A_276 : i32 to index
        %get3A_278 = arith.index_cast %scan3A_237 : i32 to index
        %get3A_279 = arith.constant 32 : index
        %get3A_280 = tpu.vector_load %arg9[%get3A_277, %get3A_278, %get3A_279] {strides = array<i32>} : memref<2x40x128xf32, #tpu.memory_space<vmem>>, vector<1x1x16xf32>,
        %get3A_281 = vector.shape_cast %get3A_280 : vector<1x1x16xf32> to vector<16xf32>
        %get3A_282 = arith.constant 0 : i32
        %get3A_283 = arith.index_cast %get3A_282 : i32 to index
        %get3A_284 = arith.index_cast %scan3A_237 : i32 to index
        %get3A_285 = arith.constant 32 : index
        %get3A_286 = tpu.vector_load %arg10[%get3A_283, %get3A_284, %get3A_285] {strides = array<i32>} : memref<2x40x128xf32, #tpu.memory_space<vmem>>, vector<1x1x16xf32>,
        %get3A_287 = vector.shape_cast %get3A_286 : vector<1x1x16xf32> to vector<16xf32>
        %mul3A_288 = arith.mulf %get3A_281, %get3A_287 : vector<16xf32>
        %swap3A_289 = arith.constant 0 : i32
        %swap3A_290 = arith.index_cast %swap3A_289 : i32 to index
        %swap3A_291 = arith.index_cast %scan3A_237 : i32 to index
        %swap3A_292 = arith.constant 32 : index
        %swap3A_293 = tpu.vector_load %arg9[%swap3A_290, %swap3A_291, %swap3A_292] {strides = array<i32>} : memref<2x40x128xf32, #tpu.memory_space<vmem>>, vector<1x1x16xf32>,
        %swap3A_294 = vector.shape_cast %swap3A_293 : vector<1x1x16xf32> to vector<16xf32>
        %swap3A_295 = vector.shape_cast %mul3A_288 : vector<16xf32> to vector<1x1x16xf32>
        tpu.vector_store %arg9[%swap3A_290, %swap3A_291, %swap3A_292], %swap3A_295 {strides = array<i32>} : memref<2x40x128xf32, #tpu.memory_space<vmem>>, vector<1x1x16xf32>,
        %get3A_296 = arith.constant 0 : i32
        %get3A_297 = arith.index_cast %get3A_296 : i32 to index
        %get3A_298 = arith.index_cast %scan3A_237 : i32 to index
        %get3A_299 = arith.constant 48 : index
        %get3A_300 = tpu.vector_load %arg9[%get3A_297, %get3A_298, %get3A_299] {strides = array<i32>} : memref<2x40x128xf32, #tpu.memory_space<vmem>>, vector<1x1x16xf32>,
        %get3A_301 = vector.shape_cast %get3A_300 : vector<1x1x16xf32> to vector<16xf32>
        %get3A_302 = arith.constant 0 : i32
        %get3A_303 = arith.index_cast %get3A_302 : i32 to index
        %get3A_304 = arith.index_cast %scan3A_237 : i32 to index
        %get3A_305 = arith.constant 48 : index
        %get3A_306 = tpu.vector_load %arg10[%get3A_303, %get3A_304, %get3A_305] {strides = array<i32>} : memref<2x40x128xf32, #tpu.memory_space<vmem>>, vector<1x1x16xf32>,
        %get3A_307 = vector.shape_cast %get3A_306 : vector<1x1x16xf32> to vector<16xf32>
        %mul3A_308 = arith.mulf %get3A_301, %get3A_307 : vector<16xf32>
        %swap3A_309 = arith.constant 0 : i32
        %swap3A_310 = arith.index_cast %swap3A_309 : i32 to index
        %swap3A_311 = arith.index_cast %scan3A_237 : i32 to index
        %swap3A_312 = arith.constant 48 : index
        %swap3A_313 = tpu.vector_load %arg9[%swap3A_310, %swap3A_311, %swap3A_312] {strides = array<i32>} : memref<2x40x128xf32, #tpu.memory_space<vmem>>, vector<1x1x16xf32>,
        %swap3A_314 = vector.shape_cast %swap3A_313 : vector<1x1x16xf32> to vector<16xf32>
        %swap3A_315 = vector.shape_cast %mul3A_308 : vector<16xf32> to vector<1x1x16xf32>
        tpu.vector_store %arg9[%swap3A_310, %swap3A_311, %swap3A_312], %swap3A_315 {strides = array<i32>} : memref<2x40x128xf32, #tpu.memory_space<vmem>>, vector<1x1x16xf32>,
        %get3A_316 = arith.constant 0 : i32
        %get3A_317 = arith.index_cast %get3A_316 : i32 to index
        %get3A_318 = arith.index_cast %scan3A_237 : i32 to index
        %get3A_319 = arith.constant 64 : index
        %get3A_320 = tpu.vector_load %arg9[%get3A_317, %get3A_318, %get3A_319] {strides = array<i32>} : memref<2x40x128xf32, #tpu.memory_space<vmem>>, vector<1x1x16xf32>,
        %get3A_321 = vector.shape_cast %get3A_320 : vector<1x1x16xf32> to vector<16xf32>
        %get3A_322 = arith.constant 0 : i32
        %get3A_323 = arith.index_cast %get3A_322 : i32 to index
        %get3A_324 = arith.index_cast %scan3A_237 : i32 to index
        %get3A_325 = arith.constant 64 : index
        %get3A_326 = tpu.vector_load %arg10[%get3A_323, %get3A_324, %get3A_325] {strides = array<i32>} : memref<2x40x128xf32, #tpu.memory_space<vmem>>, vector<1x1x16xf32>,
        %get3A_327 = vector.shape_cast %get3A_326 : vector<1x1x16xf32> to vector<16xf32>
        %mul3A_328 = arith.mulf %get3A_321, %get3A_327 : vector<16xf32>
        %swap3A_329 = arith.constant 0 : i32
        %swap3A_330 = arith.index_cast %swap3A_329 : i32 to index
        %swap3A_331 = arith.index_cast %scan3A_237 : i32 to index
        %swap3A_332 = arith.constant 64 : index
        %swap3A_333 = tpu.vector_load %arg9[%swap3A_330, %swap3A_331, %swap3A_332] {strides = array<i32>} : memref<2x40x128xf32, #tpu.memory_space<vmem>>, vector<1x1x16xf32>,
        %swap3A_334 = vector.shape_cast %swap3A_333 : vector<1x1x16xf32> to vector<16xf32>
        %swap3A_335 = vector.shape_cast %mul3A_328 : vector<16xf32> to vector<1x1x16xf32>
        tpu.vector_store %arg9[%swap3A_330, %swap3A_331, %swap3A_332], %swap3A_335 {strides = array<i32>} : memref<2x40x128xf32, #tpu.memory_space<vmem>>, vector<1x1x16xf32>,
        %get3A_336 = arith.constant 0 : i32
        %get3A_337 = arith.index_cast %get3A_336 : i32 to index
        %get3A_338 = arith.index_cast %scan3A_237 : i32 to index
        %get3A_339 = arith.constant 80 : index
        %get3A_340 = tpu.vector_load %arg9[%get3A_337, %get3A_338, %get3A_339] {strides = array<i32>} : memref<2x40x128xf32, #tpu.memory_space<vmem>>, vector<1x1x16xf32>,
        %get3A_341 = vector.shape_cast %get3A_340 : vector<1x1x16xf32> to vector<16xf32>
        %get3A_342 = arith.constant 0 : i32
        %get3A_343 = arith.index_cast %get3A_342 : i32 to index
        %get3A_344 = arith.index_cast %scan3A_237 : i32 to index
        %get3A_345 = arith.constant 80 : index
        %get3A_346 = tpu.vector_load %arg10[%get3A_343, %get3A_344, %get3A_345] {strides = array<i32>} : memref<2x40x128xf32, #tpu.memory_space<vmem>>, vector<1x1x16xf32>,
        %get3A_347 = vector.shape_cast %get3A_346 : vector<1x1x16xf32> to vector<16xf32>
        %mul3A_348 = arith.mulf %get3A_341, %get3A_347 : vector<16xf32>
        %swap3A_349 = arith.constant 0 : i32
        %swap3A_350 = arith.index_cast %swap3A_349 : i32 to index
        %swap3A_351 = arith.index_cast %scan3A_237 : i32 to index
        %swap3A_352 = arith.constant 80 : index
        %swap3A_353 = tpu.vector_load %arg9[%swap3A_350, %swap3A_351, %swap3A_352] {strides = array<i32>} : memref<2x40x128xf32, #tpu.memory_space<vmem>>, vector<1x1x16xf32>,
        %swap3A_354 = vector.shape_cast %swap3A_353 : vector<1x1x16xf32> to vector<16xf32>
        %swap3A_355 = vector.shape_cast %mul3A_348 : vector<16xf32> to vector<1x1x16xf32>
        tpu.vector_store %arg9[%swap3A_350, %swap3A_351, %swap3A_352], %swap3A_355 {strides = array<i32>} : memref<2x40x128xf32, #tpu.memory_space<vmem>>, vector<1x1x16xf32>,
        %get3A_356 = arith.constant 0 : i32
        %get3A_357 = arith.index_cast %get3A_356 : i32 to index
        %get3A_358 = arith.index_cast %scan3A_237 : i32 to index
        %get3A_359 = arith.constant 96 : index
        %get3A_360 = tpu.vector_load %arg9[%get3A_357, %get3A_358, %get3A_359] {strides = array<i32>} : memref<2x40x128xf32, #tpu.memory_space<vmem>>, vector<1x1x16xf32>,
        %get3A_361 = vector.shape_cast %get3A_360 : vector<1x1x16xf32> to vector<16xf32>
        %get3A_362 = arith.constant 0 : i32
        %get3A_363 = arith.index_cast %get3A_362 : i32 to index
        %get3A_364 = arith.index_cast %scan3A_237 : i32 to index
        %get3A_365 = arith.constant 96 : index
        %get3A_366 = tpu.vector_load %arg10[%get3A_363, %get3A_364, %get3A_365] {strides = array<i32>} : memref<2x40x128xf32, #tpu.memory_space<vmem>>, vector<1x1x16xf32>,
        %get3A_367 = vector.shape_cast %get3A_366 : vector<1x1x16xf32> to vector<16xf32>
        %mul3A_368 = arith.mulf %get3A_361, %get3A_367 : vector<16xf32>
        %swap3A_369 = arith.constant 0 : i32
        %swap3A_370 = arith.index_cast %swap3A_369 : i32 to index
        %swap3A_371 = arith.index_cast %scan3A_237 : i32 to index
        %swap3A_372 = arith.constant 96 : index
        %swap3A_373 = tpu.vector_load %arg9[%swap3A_370, %swap3A_371, %swap3A_372] {strides = array<i32>} : memref<2x40x128xf32, #tpu.memory_space<vmem>>, vector<1x1x16xf32>,
        %swap3A_374 = vector.shape_cast %swap3A_373 : vector<1x1x16xf32> to vector<16xf32>
        %swap3A_375 = vector.shape_cast %mul3A_368 : vector<16xf32> to vector<1x1x16xf32>
        tpu.vector_store %arg9[%swap3A_370, %swap3A_371, %swap3A_372], %swap3A_375 {strides = array<i32>} : memref<2x40x128xf32, #tpu.memory_space<vmem>>, vector<1x1x16xf32>,
        %get3A_376 = arith.constant 0 : i32
        %get3A_377 = arith.index_cast %get3A_376 : i32 to index
        %get3A_378 = arith.index_cast %scan3A_237 : i32 to index
        %get3A_379 = arith.constant 112 : index
        %get3A_380 = tpu.vector_load %arg9[%get3A_377, %get3A_378, %get3A_379] {strides = array<i32>} : memref<2x40x128xf32, #tpu.memory_space<vmem>>, vector<1x1x16xf32>,
        %get3A_381 = vector.shape_cast %get3A_380 : vector<1x1x16xf32> to vector<16xf32>
        %get3A_382 = arith.constant 0 : i32
        %get3A_383 = arith.index_cast %get3A_382 : i32 to index
        %get3A_384 = arith.index_cast %scan3A_237 : i32 to index
        %get3A_385 = arith.constant 112 : index
        %get3A_386 = tpu.vector_load %arg10[%get3A_383, %get3A_384, %get3A_385] {strides = array<i32>} : memref<2x40x128xf32, #tpu.memory_space<vmem>>, vector<1x1x16xf32>,
        %get3A_387 = vector.shape_cast %get3A_386 : vector<1x1x16xf32> to vector<16xf32>
        %mul3A_388 = arith.mulf %get3A_381, %get3A_387 : vector<16xf32>
        %swap3A_389 = arith.constant 0 : i32
        %swap3A_390 = arith.index_cast %swap3A_389 : i32 to index
        %swap3A_391 = arith.index_cast %scan3A_237 : i32 to index
        %swap3A_392 = arith.constant 112 : index
        %swap3A_393 = tpu.vector_load %arg9[%swap3A_390, %swap3A_391, %swap3A_392] {strides = array<i32>} : memref<2x40x128xf32, #tpu.memory_space<vmem>>, vector<1x1x16xf32>,
        %swap3A_394 = vector.shape_cast %swap3A_393 : vector<1x1x16xf32> to vector<16xf32>
        %swap3A_395 = vector.shape_cast %mul3A_388 : vector<16xf32> to vector<1x1x16xf32>
        tpu.vector_store %arg9[%swap3A_390, %swap3A_391, %swap3A_392], %swap3A_395 {strides = array<i32>} : memref<2x40x128xf32, #tpu.memory_space<vmem>>, vector<1x1x16xf32>,
      }
      %scan3A_153 = arith.constant 40 : i32
      %dma_start3A_154 = arith.constant 0 : i32
      %dma_start3A_155 = arith.constant 0 : i32
      %dma_start3A_156 = arith.constant 0 : i32
      %dma_start3A_157 = tpu.memref_slice %arg9[%dma_start3A_154, %dma_start3A_155, %dma_start3A_156] : memref<2x40x128xf32, #tpu.memory_space<vmem>> -> memref<1x40x128xf32, #tpu.memory_space<vmem>>
      %dma_start3A_158 = tpu.memref_squeeze %dma_start3A_157 : memref<1x40x128xf32, #tpu.memory_space<vmem>> -> memref<40x128xf32, #tpu.memory_space<vmem>>
      %dma_start3A_159 = arith.constant 0 : i32
      %dma_start3A_160 = tpu.memref_slice %arg6[%add3A_71, %dma_start3A_159] : memref<320000x128xf32, #tpu.memory_space<hbm>> -> memref<40x128xf32, #tpu.memory_space<hbm>>
      %dma_start3A_161 = arith.constant 0 : i32
      %dma_start3A_162 = tpu.memref_slice %arg6[%add3A_71, %dma_start3A_161] : memref<320000x128xf32, #tpu.memory_space<hbm>> -> memref<40x128xf32, #tpu.memory_space<hbm>>
      %dma_start3A_163 = arith.constant 0 : i32
      %dma_start3A_164 = arith.constant 0 : i32
      %dma_start3A_165 = tpu.memref_slice %arg9[%dma_start3A_154, %dma_start3A_163, %dma_start3A_164] : memref<2x40x128xf32, #tpu.memory_space<vmem>> -> memref<1x40x128xf32, #tpu.memory_space<vmem>>
      %dma_start3A_166 = tpu.memref_squeeze %dma_start3A_165 : memref<1x40x128xf32, #tpu.memory_space<vmem>> -> memref<40x128xf32, #tpu.memory_space<vmem>>
      tpu.enqueue_dma source(%dma_start3A_166 : memref<40x128xf32, #tpu.memory_space<vmem>>) target(%dma_start3A_162 : memref<40x128xf32, #tpu.memory_space<hbm>>) target_semaphore(%arg15 : memref<!tpu.dma_semaphore, #tpu.memory_space<semaphore_mem>>)
      %add3A_167 = arith.constant 40 : i32
      %add3A_168 = arith.addi %add3A_71, %add3A_167 : i32
      %dma_wait3A_169 = arith.constant 0 : i32
      %dma_wait3A_170 = arith.constant 0 : i32
      %dma_wait3A_171 = arith.constant 0 : i32
      %dma_wait3A_172 = tpu.memref_slice %arg9[%dma_wait3A_169, %dma_wait3A_170, %dma_wait3A_171] : memref<2x40x128xf32, #tpu.memory_space<vmem>> -> memref<1x40x128xf32, #tpu.memory_space<vmem>>
      %dma_wait3A_173 = tpu.memref_squeeze %dma_wait3A_172 : memref<1x40x128xf32, #tpu.memory_space<vmem>> -> memref<40x128xf32, #tpu.memory_space<vmem>>
      %dma_wait3A_174 = arith.constant 0 : i32
      %dma_wait3A_175 = arith.constant 0 : i32
      %dma_wait3A_176 = tpu.memref_slice %arg6[%dma_wait3A_174, %dma_wait3A_175] : memref<320000x128xf32, #tpu.memory_space<hbm>> -> memref<40x128xf32, #tpu.memory_space<hbm>>
      %dma_wait3A_177 = arith.constant 0 : i32
      %dma_wait3A_178 = arith.constant 0 : i32
      %dma_wait3A_179 = tpu.memref_slice %arg6[%dma_wait3A_177, %dma_wait3A_178] : memref<320000x128xf32, #tpu.memory_space<hbm>> -> memref<40x128xf32, #tpu.memory_space<hbm>>
      %dma_wait3A_180 = arith.constant 0 : i32
      %dma_wait3A_181 = arith.constant 0 : i32
      %dma_wait3A_182 = tpu.memref_slice %arg9[%dma_wait3A_169, %dma_wait3A_180, %dma_wait3A_181] : memref<2x40x128xf32, #tpu.memory_space<vmem>> -> memref<1x40x128xf32, #tpu.memory_space<vmem>>
      %dma_wait3A_183 = tpu.memref_squeeze %dma_wait3A_182 : memref<1x40x128xf32, #tpu.memory_space<vmem>> -> memref<40x128xf32, #tpu.memory_space<vmem>>
      tpu.wait_dma2 semaphore(%arg15 : memref<!tpu.dma_semaphore, #tpu.memory_space<semaphore_mem>>) src(%dma_wait3A_183 : memref<40x128xf32, #tpu.memory_space<vmem>>) dst(%dma_wait3A_179 : memref<40x128xf32, #tpu.memory_space<hbm>>)
      %lt3A_184 = arith.constant 124 : i32
      %lt3A_185 = arith.cmpi slt, %scan3A_66, %lt3A_184 : i32
      %convert_element_type3A_186 = arith.extui %lt3A_185 : i1 to i32
      %cond3A_187 = arith.constant 0 : i32
      %cond3A_188 = arith.cmpi ne, %convert_element_type3A_186, %cond3A_187 : i32
      scf.if %cond3A_188 {
        %dma_wait3A_237 = arith.constant 0 : i32
        %dma_wait3A_238 = arith.constant 0 : i32
        %dma_wait3A_239 = tpu.memref_slice %arg7[%dma_wait3A_237, %dma_wait3A_238] : memref<2x40xi32, #tpu.memory_space<vmem>> -> memref<1x40xi32, #tpu.memory_space<vmem>>
        %dma_wait3A_240 = tpu.memref_squeeze %dma_wait3A_239 : memref<1x40xi32, #tpu.memory_space<vmem>> -> memref<40xi32, #tpu.memory_space<vmem>>
        %dma_wait3A_241 = arith.constant 0 : i32
        %dma_wait3A_242 = tpu.memref_slice %arg4[%dma_wait3A_241] : memref<320000xi32, #tpu.memory_space<hbm>> -> memref<40xi32, #tpu.memory_space<hbm>>
        %dma_wait3A_243 = arith.constant 0 : i32
        %dma_wait3A_244 = tpu.memref_slice %arg7[%dma_wait3A_237, %dma_wait3A_243] : memref<2x40xi32, #tpu.memory_space<vmem>> -> memref<1x40xi32, #tpu.memory_space<vmem>>
        %dma_wait3A_245 = tpu.memref_squeeze %dma_wait3A_244 : memref<1x40xi32, #tpu.memory_space<vmem>> -> memref<40xi32, #tpu.memory_space<vmem>>
        %dma_wait3A_246 = arith.constant 0 : i32
        %dma_wait3A_247 = tpu.memref_slice %arg4[%dma_wait3A_246] : memref<320000xi32, #tpu.memory_space<hbm>> -> memref<40xi32, #tpu.memory_space<hbm>>
        tpu.wait_dma2 semaphore(%arg17 : memref<!tpu.dma_semaphore, #tpu.memory_space<semaphore_mem>>) src(%dma_wait3A_247 : memref<40xi32, #tpu.memory_space<hbm>>) dst(%dma_wait3A_245 : memref<40xi32, #tpu.memory_space<vmem>>)
        %dma_wait3A_248 = arith.constant 0 : i32
        %dma_wait3A_249 = arith.constant 0 : i32
        %dma_wait3A_250 = tpu.memref_slice %arg8[%dma_wait3A_248, %dma_wait3A_249] : memref<2x40xi32, #tpu.memory_space<vmem>> -> memref<1x40xi32, #tpu.memory_space<vmem>>
        %dma_wait3A_251 = tpu.memref_squeeze %dma_wait3A_250 : memref<1x40xi32, #tpu.memory_space<vmem>> -> memref<40xi32, #tpu.memory_space<vmem>>
        %dma_wait3A_252 = arith.constant 0 : i32
        %dma_wait3A_253 = tpu.memref_slice %arg5[%dma_wait3A_252] : memref<320000xi32, #tpu.memory_space<hbm>> -> memref<40xi32, #tpu.memory_space<hbm>>
        %dma_wait3A_254 = arith.constant 0 : i32
        %dma_wait3A_255 = tpu.memref_slice %arg8[%dma_wait3A_248, %dma_wait3A_254] : memref<2x40xi32, #tpu.memory_space<vmem>> -> memref<1x40xi32, #tpu.memory_space<vmem>>
        %dma_wait3A_256 = tpu.memref_squeeze %dma_wait3A_255 : memref<1x40xi32, #tpu.memory_space<vmem>> -> memref<40xi32, #tpu.memory_space<vmem>>
        %dma_wait3A_257 = arith.constant 0 : i32
        %dma_wait3A_258 = tpu.memref_slice %arg5[%dma_wait3A_257] : memref<320000xi32, #tpu.memory_space<hbm>> -> memref<40xi32, #tpu.memory_space<hbm>>
        tpu.wait_dma2 semaphore(%arg17 : memref<!tpu.dma_semaphore, #tpu.memory_space<semaphore_mem>>) src(%dma_wait3A_258 : memref<40xi32, #tpu.memory_space<hbm>>) dst(%dma_wait3A_256 : memref<40xi32, #tpu.memory_space<vmem>>)
        %dma_start3A_259 = arith.constant 0 : i32
        %dma_start3A_260 = arith.constant 0 : i32
        %dma_start3A_261 = arith.constant 0 : i32
        %dma_start3A_262 = arith.constant 0 : i32
        %dma_start3A_263 = tpu.memref_slice %arg9[%dma_start3A_260, %dma_start3A_261, %dma_start3A_262] : memref<2x40x128xf32, #tpu.memory_space<vmem>> -> memref<1x40x128xf32, #tpu.memory_space<vmem>>
        %dma_start3A_264 = tpu.memref_squeeze %dma_start3A_263 : memref<1x40x128xf32, #tpu.memory_space<vmem>> -> memref<40x128xf32, #tpu.memory_space<vmem>>
        %dma_start3A_265 = arith.constant 0 : i32
        %dma_start3A_266 = tpu.memref_slice %arg7[%dma_start3A_259, %dma_start3A_265] : memref<2x40xi32, #tpu.memory_space<vmem>> -> memref<1x40xi32, #tpu.memory_space<vmem>>
        %dma_start3A_267 = tpu.memref_squeeze %dma_start3A_266 : memref<1x40xi32, #tpu.memory_space<vmem>> -> memref<40xi32, #tpu.memory_space<vmem>>
        %dma_start3A_268 = arith.constant 0 : i32
        %dma_start3A_269 = arith.constant 0 : i32
        %dma_start3A_270 = tpu.memref_slice %arg2[%dma_start3A_268, %dma_start3A_269] : memref<10000x128xf32, #tpu.memory_space<hbm>> -> memref<10000x128xf32, #tpu.memory_space<hbm>>
        tpu.enqueue_indirect_dma source(%dma_start3A_270 : memref<10000x128xf32, #tpu.memory_space<hbm>>) target(%dma_start3A_264 : memref<40x128xf32, #tpu.memory_space<vmem>>) offsets(%dma_start3A_267 : memref<40xi32, #tpu.memory_space<vmem>>) semaphore(%arg11 : memref<!tpu.dma_semaphore, #tpu.memory_space<semaphore_mem>>)
        %dma_start3A_271 = arith.constant 0 : i32
        %dma_start3A_272 = arith.constant 0 : i32
        %dma_start3A_273 = arith.constant 0 : i32
        %dma_start3A_274 = arith.constant 0 : i32
        %dma_start3A_275 = tpu.memref_slice %arg10[%dma_start3A_272, %dma_start3A_273, %dma_start3A_274] : memref<2x40x128xf32, #tpu.memory_space<vmem>> -> memref<1x40x128xf32, #tpu.memory_space<vmem>>
        %dma_start3A_276 = tpu.memref_squeeze %dma_start3A_275 : memref<1x40x128xf32, #tpu.memory_space<vmem>> -> memref<40x128xf32, #tpu.memory_space<vmem>>
        %dma_start3A_277 = arith.constant 0 : i32
        %dma_start3A_278 = tpu.memref_slice %arg8[%dma_start3A_271, %dma_start3A_277] : memref<2x40xi32, #tpu.memory_space<vmem>> -> memref<1x40xi32, #tpu.memory_space<vmem>>
        %dma_start3A_279 = tpu.memref_squeeze %dma_start3A_278 : memref<1x40xi32, #tpu.memory_space<vmem>> -> memref<40xi32, #tpu.memory_space<vmem>>
        %dma_start3A_280 = arith.constant 0 : i32
        %dma_start3A_281 = arith.constant 0 : i32
        %dma_start3A_282 = tpu.memref_slice %arg3[%dma_start3A_280, %dma_start3A_281] : memref<10000x128xf32, #tpu.memory_space<hbm>> -> memref<10000x128xf32, #tpu.memory_space<hbm>>
        tpu.enqueue_indirect_dma source(%dma_start3A_282 : memref<10000x128xf32, #tpu.memory_space<hbm>>) target(%dma_start3A_276 : memref<40x128xf32, #tpu.memory_space<vmem>>) offsets(%dma_start3A_279 : memref<40xi32, #tpu.memory_space<vmem>>) semaphore(%arg12 : memref<!tpu.dma_semaphore, #tpu.memory_space<semaphore_mem>>)
      } else {
      }
      %dma_wait3A_189 = arith.constant 1 : i32
      %dma_wait3A_190 = arith.constant 1 : i32
      %dma_wait3A_191 = arith.constant 0 : i32
      %dma_wait3A_192 = arith.constant 0 : i32
      %dma_wait3A_193 = tpu.memref_slice %arg9[%dma_wait3A_190, %dma_wait3A_191, %dma_wait3A_192] : memref<2x40x128xf32, #tpu.memory_space<vmem>> -> memref<1x40x128xf32, #tpu.memory_space<vmem>>
      %dma_wait3A_194 = tpu.memref_squeeze %dma_wait3A_193 : memref<1x40x128xf32, #tpu.memory_space<vmem>> -> memref<40x128xf32, #tpu.memory_space<vmem>>
      %dma_wait3A_195 = arith.constant 0 : i32
      %dma_wait3A_196 = tpu.memref_slice %arg7[%dma_wait3A_189, %dma_wait3A_195] : memref<2x40xi32, #tpu.memory_space<vmem>> -> memref<1x40xi32, #tpu.memory_space<vmem>>
      %dma_wait3A_197 = tpu.memref_squeeze %dma_wait3A_196 : memref<1x40xi32, #tpu.memory_space<vmem>> -> memref<40xi32, #tpu.memory_space<vmem>>
      %dma_wait3A_198 = arith.constant 0 : i32
      %dma_wait3A_199 = arith.constant 0 : i32
      %dma_wait3A_200 = tpu.memref_slice %arg2[%dma_wait3A_198, %dma_wait3A_199] : memref<10000x128xf32, #tpu.memory_space<hbm>> -> memref<10000x128xf32, #tpu.memory_space<hbm>>
      tpu.wait_indirect_dma semaphore(%arg13 : memref<!tpu.dma_semaphore, #tpu.memory_space<semaphore_mem>>) src(%dma_wait3A_200 : memref<10000x128xf32, #tpu.memory_space<hbm>>) dst(%dma_wait3A_194 : memref<40x128xf32, #tpu.memory_space<vmem>>)
      %dma_wait3A_201 = arith.constant 1 : i32
      %dma_wait3A_202 = arith.constant 1 : i32
      %dma_wait3A_203 = arith.constant 0 : i32
      %dma_wait3A_204 = arith.constant 0 : i32
      %dma_wait3A_205 = tpu.memref_slice %arg10[%dma_wait3A_202, %dma_wait3A_203, %dma_wait3A_204] : memref<2x40x128xf32, #tpu.memory_space<vmem>> -> memref<1x40x128xf32, #tpu.memory_space<vmem>>
      %dma_wait3A_206 = tpu.memref_squeeze %dma_wait3A_205 : memref<1x40x128xf32, #tpu.memory_space<vmem>> -> memref<40x128xf32, #tpu.memory_space<vmem>>
      %dma_wait3A_207 = arith.constant 0 : i32
      %dma_wait3A_208 = tpu.memref_slice %arg8[%dma_wait3A_201, %dma_wait3A_207] : memref<2x40xi32, #tpu.memory_space<vmem>> -> memref<1x40xi32, #tpu.memory_space<vmem>>
      %dma_wait3A_209 = tpu.memref_squeeze %dma_wait3A_208 : memref<1x40xi32, #tpu.memory_space<vmem>> -> memref<40xi32, #tpu.memory_space<vmem>>
      %dma_wait3A_210 = arith.constant 0 : i32
      %dma_wait3A_211 = arith.constant 0 : i32
      %dma_wait3A_212 = tpu.memref_slice %arg3[%dma_wait3A_210, %dma_wait3A_211] : memref<10000x128xf32, #tpu.memory_space<hbm>> -> memref<10000x128xf32, #tpu.memory_space<hbm>>
      tpu.wait_indirect_dma semaphore(%arg14 : memref<!tpu.dma_semaphore, #tpu.memory_space<semaphore_mem>>) src(%dma_wait3A_212 : memref<10000x128xf32, #tpu.memory_space<hbm>>) dst(%dma_wait3A_206 : memref<40x128xf32, #tpu.memory_space<vmem>>)
      %lt3A_213 = arith.constant 124 : i32
      %lt3A_214 = arith.cmpi slt, %scan3A_66, %lt3A_213 : i32
      %convert_element_type3A_215 = arith.extui %lt3A_214 : i1 to i32
      %cond3A_216 = arith.constant 0 : i32
      %cond3A_217 = arith.cmpi ne, %convert_element_type3A_215, %cond3A_216 : i32
      scf.if %cond3A_217 {
        %add3A_237 = arith.constant 80 : i32
        %add3A_238 = arith.addi %add3A_168, %add3A_237 : i32
        %dma_start3A_239 = arith.constant 1 : i32
        %dma_start3A_240 = arith.constant 0 : i32
        %dma_start3A_241 = tpu.memref_slice %arg7[%dma_start3A_239, %dma_start3A_240] : memref<2x40xi32, #tpu.memory_space<vmem>> -> memref<1x40xi32, #tpu.memory_space<vmem>>
        %dma_start3A_242 = tpu.memref_squeeze %dma_start3A_241 : memref<1x40xi32, #tpu.memory_space<vmem>> -> memref<40xi32, #tpu.memory_space<vmem>>
        %dma_start3A_243 = tpu.memref_slice %arg4[%add3A_238] : memref<320000xi32, #tpu.memory_space<hbm>> -> memref<40xi32, #tpu.memory_space<hbm>>
        %dma_start3A_244 = arith.constant 0 : i32
        %dma_start3A_245 = tpu.memref_slice %arg7[%dma_start3A_239, %dma_start3A_244] : memref<2x40xi32, #tpu.memory_space<vmem>> -> memref<1x40xi32, #tpu.memory_space<vmem>>
        %dma_start3A_246 = tpu.memref_squeeze %dma_start3A_245 : memref<1x40xi32, #tpu.memory_space<vmem>> -> memref<40xi32, #tpu.memory_space<vmem>>
        %dma_start3A_247 = tpu.memref_slice %arg4[%add3A_238] : memref<320000xi32, #tpu.memory_space<hbm>> -> memref<40xi32, #tpu.memory_space<hbm>>
        tpu.enqueue_dma source(%dma_start3A_247 : memref<40xi32, #tpu.memory_space<hbm>>) target(%dma_start3A_246 : memref<40xi32, #tpu.memory_space<vmem>>) target_semaphore(%arg18 : memref<!tpu.dma_semaphore, #tpu.memory_space<semaphore_mem>>)
        %dma_start3A_248 = arith.constant 1 : i32
        %dma_start3A_249 = arith.constant 0 : i32
        %dma_start3A_250 = tpu.memref_slice %arg8[%dma_start3A_248, %dma_start3A_249] : memref<2x40xi32, #tpu.memory_space<vmem>> -> memref<1x40xi32, #tpu.memory_space<vmem>>
        %dma_start3A_251 = tpu.memref_squeeze %dma_start3A_250 : memref<1x40xi32, #tpu.memory_space<vmem>> -> memref<40xi32, #tpu.memory_space<vmem>>
        %dma_start3A_252 = tpu.memref_slice %arg5[%add3A_238] : memref<320000xi32, #tpu.memory_space<hbm>> -> memref<40xi32, #tpu.memory_space<hbm>>
        %dma_start3A_253 = arith.constant 0 : i32
        %dma_start3A_254 = tpu.memref_slice %arg8[%dma_start3A_248, %dma_start3A_253] : memref<2x40xi32, #tpu.memory_space<vmem>> -> memref<1x40xi32, #tpu.memory_space<vmem>>
        %dma_start3A_255 = tpu.memref_squeeze %dma_start3A_254 : memref<1x40xi32, #tpu.memory_space<vmem>> -> memref<40xi32, #tpu.memory_space<vmem>>
        %dma_start3A_256 = tpu.memref_slice %arg5[%add3A_238] : memref<320000xi32, #tpu.memory_space<hbm>> -> memref<40xi32, #tpu.memory_space<hbm>>
        tpu.enqueue_dma source(%dma_start3A_256 : memref<40xi32, #tpu.memory_space<hbm>>) target(%dma_start3A_255 : memref<40xi32, #tpu.memory_space<vmem>>) target_semaphore(%arg18 : memref<!tpu.dma_semaphore, #tpu.memory_space<semaphore_mem>>)
      } else {
      }
      %scan3A_218 = arith.constant 0 : i32
      %scan3A_219 = arith.constant 0 : i32
      %scan3A_220 = arith.constant 40 : i32
      %scan3A_221 = arith.addi %scan3A_219, %scan3A_220 : i32
      %scan3A_222 = arith.constant 1 : i32
      scf.for %scan3A_237 = %scan3A_219 to %scan3A_221 step %scan3A_222  : i32 {
        %get3A = arith.constant 1 : i32
        %get3A_238 = arith.index_cast %get3A : i32 to index
        %get3A_239 = arith.index_cast %scan3A_237 : i32 to index
        %get3A_240 = arith.constant 0 : index
        %get3A_241 = tpu.vector_load %arg9[%get3A_238, %get3A_239, %get3A_240] {strides = array<i32>} : memref<2x40x128xf32, #tpu.memory_space<vmem>>, vector<1x1x16xf32>,
        %get3A_242 = vector.shape_cast %get3A_241 : vector<1x1x16xf32> to vector<16xf32>
        %get3A_243 = arith.constant 1 : i32
        %get3A_244 = arith.index_cast %get3A_243 : i32 to index
        %get3A_245 = arith.index_cast %scan3A_237 : i32 to index
        %get3A_246 = arith.constant 0 : index
        %get3A_247 = tpu.vector_load %arg10[%get3A_244, %get3A_245, %get3A_246] {strides = array<i32>} : memref<2x40x128xf32, #tpu.memory_space<vmem>>, vector<1x1x16xf32>,
        %get3A_248 = vector.shape_cast %get3A_247 : vector<1x1x16xf32> to vector<16xf32>
        %mul3A_249 = arith.mulf %get3A_242, %get3A_248 : vector<16xf32>
        %swap3A = arith.constant 1 : i32
        %swap3A_250 = arith.index_cast %swap3A : i32 to index
        %swap3A_251 = arith.index_cast %scan3A_237 : i32 to index
        %swap3A_252 = arith.constant 0 : index
        %swap3A_253 = tpu.vector_load %arg9[%swap3A_250, %swap3A_251, %swap3A_252] {strides = array<i32>} : memref<2x40x128xf32, #tpu.memory_space<vmem>>, vector<1x1x16xf32>,
        %swap3A_254 = vector.shape_cast %swap3A_253 : vector<1x1x16xf32> to vector<16xf32>
        %swap3A_255 = vector.shape_cast %mul3A_249 : vector<16xf32> to vector<1x1x16xf32>
        tpu.vector_store %arg9[%swap3A_250, %swap3A_251, %swap3A_252], %swap3A_255 {strides = array<i32>} : memref<2x40x128xf32, #tpu.memory_space<vmem>>, vector<1x1x16xf32>,
        %get3A_256 = arith.constant 1 : i32
        %get3A_257 = arith.index_cast %get3A_256 : i32 to index
        %get3A_258 = arith.index_cast %scan3A_237 : i32 to index
        %get3A_259 = arith.constant 16 : index
        %get3A_260 = tpu.vector_load %arg9[%get3A_257, %get3A_258, %get3A_259] {strides = array<i32>} : memref<2x40x128xf32, #tpu.memory_space<vmem>>, vector<1x1x16xf32>,
        %get3A_261 = vector.shape_cast %get3A_260 : vector<1x1x16xf32> to vector<16xf32>
        %get3A_262 = arith.constant 1 : i32
        %get3A_263 = arith.index_cast %get3A_262 : i32 to index
        %get3A_264 = arith.index_cast %scan3A_237 : i32 to index
        %get3A_265 = arith.constant 16 : index
        %get3A_266 = tpu.vector_load %arg10[%get3A_263, %get3A_264, %get3A_265] {strides = array<i32>} : memref<2x40x128xf32, #tpu.memory_space<vmem>>, vector<1x1x16xf32>,
        %get3A_267 = vector.shape_cast %get3A_266 : vector<1x1x16xf32> to vector<16xf32>
        %mul3A_268 = arith.mulf %get3A_261, %get3A_267 : vector<16xf32>
        %swap3A_269 = arith.constant 1 : i32
        %swap3A_270 = arith.index_cast %swap3A_269 : i32 to index
        %swap3A_271 = arith.index_cast %scan3A_237 : i32 to index
        %swap3A_272 = arith.constant 16 : index
        %swap3A_273 = tpu.vector_load %arg9[%swap3A_270, %swap3A_271, %swap3A_272] {strides = array<i32>} : memref<2x40x128xf32, #tpu.memory_space<vmem>>, vector<1x1x16xf32>,
        %swap3A_274 = vector.shape_cast %swap3A_273 : vector<1x1x16xf32> to vector<16xf32>
        %swap3A_275 = vector.shape_cast %mul3A_268 : vector<16xf32> to vector<1x1x16xf32>
        tpu.vector_store %arg9[%swap3A_270, %swap3A_271, %swap3A_272], %swap3A_275 {strides = array<i32>} : memref<2x40x128xf32, #tpu.memory_space<vmem>>, vector<1x1x16xf32>,
        %get3A_276 = arith.constant 1 : i32
        %get3A_277 = arith.index_cast %get3A_276 : i32 to index
        %get3A_278 = arith.index_cast %scan3A_237 : i32 to index
        %get3A_279 = arith.constant 32 : index
        %get3A_280 = tpu.vector_load %arg9[%get3A_277, %get3A_278, %get3A_279] {strides = array<i32>} : memref<2x40x128xf32, #tpu.memory_space<vmem>>, vector<1x1x16xf32>,
        %get3A_281 = vector.shape_cast %get3A_280 : vector<1x1x16xf32> to vector<16xf32>
        %get3A_282 = arith.constant 1 : i32
        %get3A_283 = arith.index_cast %get3A_282 : i32 to index
        %get3A_284 = arith.index_cast %scan3A_237 : i32 to index
        %get3A_285 = arith.constant 32 : index
        %get3A_286 = tpu.vector_load %arg10[%get3A_283, %get3A_284, %get3A_285] {strides = array<i32>} : memref<2x40x128xf32, #tpu.memory_space<vmem>>, vector<1x1x16xf32>,
        %get3A_287 = vector.shape_cast %get3A_286 : vector<1x1x16xf32> to vector<16xf32>
        %mul3A_288 = arith.mulf %get3A_281, %get3A_287 : vector<16xf32>
        %swap3A_289 = arith.constant 1 : i32
        %swap3A_290 = arith.index_cast %swap3A_289 : i32 to index
        %swap3A_291 = arith.index_cast %scan3A_237 : i32 to index
        %swap3A_292 = arith.constant 32 : index
        %swap3A_293 = tpu.vector_load %arg9[%swap3A_290, %swap3A_291, %swap3A_292] {strides = array<i32>} : memref<2x40x128xf32, #tpu.memory_space<vmem>>, vector<1x1x16xf32>,
        %swap3A_294 = vector.shape_cast %swap3A_293 : vector<1x1x16xf32> to vector<16xf32>
        %swap3A_295 = vector.shape_cast %mul3A_288 : vector<16xf32> to vector<1x1x16xf32>
        tpu.vector_store %arg9[%swap3A_290, %swap3A_291, %swap3A_292], %swap3A_295 {strides = array<i32>} : memref<2x40x128xf32, #tpu.memory_space<vmem>>, vector<1x1x16xf32>,
        %get3A_296 = arith.constant 1 : i32
        %get3A_297 = arith.index_cast %get3A_296 : i32 to index
        %get3A_298 = arith.index_cast %scan3A_237 : i32 to index
        %get3A_299 = arith.constant 48 : index
        %get3A_300 = tpu.vector_load %arg9[%get3A_297, %get3A_298, %get3A_299] {strides = array<i32>} : memref<2x40x128xf32, #tpu.memory_space<vmem>>, vector<1x1x16xf32>,
        %get3A_301 = vector.shape_cast %get3A_300 : vector<1x1x16xf32> to vector<16xf32>
        %get3A_302 = arith.constant 1 : i32
        %get3A_303 = arith.index_cast %get3A_302 : i32 to index
        %get3A_304 = arith.index_cast %scan3A_237 : i32 to index
        %get3A_305 = arith.constant 48 : index
        %get3A_306 = tpu.vector_load %arg10[%get3A_303, %get3A_304, %get3A_305] {strides = array<i32>} : memref<2x40x128xf32, #tpu.memory_space<vmem>>, vector<1x1x16xf32>,
        %get3A_307 = vector.shape_cast %get3A_306 : vector<1x1x16xf32> to vector<16xf32>
        %mul3A_308 = arith.mulf %get3A_301, %get3A_307 : vector<16xf32>
        %swap3A_309 = arith.constant 1 : i32
        %swap3A_310 = arith.index_cast %swap3A_309 : i32 to index
        %swap3A_311 = arith.index_cast %scan3A_237 : i32 to index
        %swap3A_312 = arith.constant 48 : index
        %swap3A_313 = tpu.vector_load %arg9[%swap3A_310, %swap3A_311, %swap3A_312] {strides = array<i32>} : memref<2x40x128xf32, #tpu.memory_space<vmem>>, vector<1x1x16xf32>,
        %swap3A_314 = vector.shape_cast %swap3A_313 : vector<1x1x16xf32> to vector<16xf32>
        %swap3A_315 = vector.shape_cast %mul3A_308 : vector<16xf32> to vector<1x1x16xf32>
        tpu.vector_store %arg9[%swap3A_310, %swap3A_311, %swap3A_312], %swap3A_315 {strides = array<i32>} : memref<2x40x128xf32, #tpu.memory_space<vmem>>, vector<1x1x16xf32>,
        %get3A_316 = arith.constant 1 : i32
        %get3A_317 = arith.index_cast %get3A_316 : i32 to index
        %get3A_318 = arith.index_cast %scan3A_237 : i32 to index
        %get3A_319 = arith.constant 64 : index
        %get3A_320 = tpu.vector_load %arg9[%get3A_317, %get3A_318, %get3A_319] {strides = array<i32>} : memref<2x40x128xf32, #tpu.memory_space<vmem>>, vector<1x1x16xf32>,
        %get3A_321 = vector.shape_cast %get3A_320 : vector<1x1x16xf32> to vector<16xf32>
        %get3A_322 = arith.constant 1 : i32
        %get3A_323 = arith.index_cast %get3A_322 : i32 to index
        %get3A_324 = arith.index_cast %scan3A_237 : i32 to index
        %get3A_325 = arith.constant 64 : index
        %get3A_326 = tpu.vector_load %arg10[%get3A_323, %get3A_324, %get3A_325] {strides = array<i32>} : memref<2x40x128xf32, #tpu.memory_space<vmem>>, vector<1x1x16xf32>,
        %get3A_327 = vector.shape_cast %get3A_326 : vector<1x1x16xf32> to vector<16xf32>
        %mul3A_328 = arith.mulf %get3A_321, %get3A_327 : vector<16xf32>
        %swap3A_329 = arith.constant 1 : i32
        %swap3A_330 = arith.index_cast %swap3A_329 : i32 to index
        %swap3A_331 = arith.index_cast %scan3A_237 : i32 to index
        %swap3A_332 = arith.constant 64 : index
        %swap3A_333 = tpu.vector_load %arg9[%swap3A_330, %swap3A_331, %swap3A_332] {strides = array<i32>} : memref<2x40x128xf32, #tpu.memory_space<vmem>>, vector<1x1x16xf32>,
        %swap3A_334 = vector.shape_cast %swap3A_333 : vector<1x1x16xf32> to vector<16xf32>
        %swap3A_335 = vector.shape_cast %mul3A_328 : vector<16xf32> to vector<1x1x16xf32>
        tpu.vector_store %arg9[%swap3A_330, %swap3A_331, %swap3A_332], %swap3A_335 {strides = array<i32>} : memref<2x40x128xf32, #tpu.memory_space<vmem>>, vector<1x1x16xf32>,
        %get3A_336 = arith.constant 1 : i32
        %get3A_337 = arith.index_cast %get3A_336 : i32 to index
        %get3A_338 = arith.index_cast %scan3A_237 : i32 to index
        %get3A_339 = arith.constant 80 : index
        %get3A_340 = tpu.vector_load %arg9[%get3A_337, %get3A_338, %get3A_339] {strides = array<i32>} : memref<2x40x128xf32, #tpu.memory_space<vmem>>, vector<1x1x16xf32>,
        %get3A_341 = vector.shape_cast %get3A_340 : vector<1x1x16xf32> to vector<16xf32>
        %get3A_342 = arith.constant 1 : i32
        %get3A_343 = arith.index_cast %get3A_342 : i32 to index
        %get3A_344 = arith.index_cast %scan3A_237 : i32 to index
        %get3A_345 = arith.constant 80 : index
        %get3A_346 = tpu.vector_load %arg10[%get3A_343, %get3A_344, %get3A_345] {strides = array<i32>} : memref<2x40x128xf32, #tpu.memory_space<vmem>>, vector<1x1x16xf32>,
        %get3A_347 = vector.shape_cast %get3A_346 : vector<1x1x16xf32> to vector<16xf32>
        %mul3A_348 = arith.mulf %get3A_341, %get3A_347 : vector<16xf32>
        %swap3A_349 = arith.constant 1 : i32
        %swap3A_350 = arith.index_cast %swap3A_349 : i32 to index
        %swap3A_351 = arith.index_cast %scan3A_237 : i32 to index
        %swap3A_352 = arith.constant 80 : index
        %swap3A_353 = tpu.vector_load %arg9[%swap3A_350, %swap3A_351, %swap3A_352] {strides = array<i32>} : memref<2x40x128xf32, #tpu.memory_space<vmem>>, vector<1x1x16xf32>,
        %swap3A_354 = vector.shape_cast %swap3A_353 : vector<1x1x16xf32> to vector<16xf32>
        %swap3A_355 = vector.shape_cast %mul3A_348 : vector<16xf32> to vector<1x1x16xf32>
        tpu.vector_store %arg9[%swap3A_350, %swap3A_351, %swap3A_352], %swap3A_355 {strides = array<i32>} : memref<2x40x128xf32, #tpu.memory_space<vmem>>, vector<1x1x16xf32>,
        %get3A_356 = arith.constant 1 : i32
        %get3A_357 = arith.index_cast %get3A_356 : i32 to index
        %get3A_358 = arith.index_cast %scan3A_237 : i32 to index
        %get3A_359 = arith.constant 96 : index
        %get3A_360 = tpu.vector_load %arg9[%get3A_357, %get3A_358, %get3A_359] {strides = array<i32>} : memref<2x40x128xf32, #tpu.memory_space<vmem>>, vector<1x1x16xf32>,
        %get3A_361 = vector.shape_cast %get3A_360 : vector<1x1x16xf32> to vector<16xf32>
        %get3A_362 = arith.constant 1 : i32
        %get3A_363 = arith.index_cast %get3A_362 : i32 to index
        %get3A_364 = arith.index_cast %scan3A_237 : i32 to index
        %get3A_365 = arith.constant 96 : index
        %get3A_366 = tpu.vector_load %arg10[%get3A_363, %get3A_364, %get3A_365] {strides = array<i32>} : memref<2x40x128xf32, #tpu.memory_space<vmem>>, vector<1x1x16xf32>,
        %get3A_367 = vector.shape_cast %get3A_366 : vector<1x1x16xf32> to vector<16xf32>
        %mul3A_368 = arith.mulf %get3A_361, %get3A_367 : vector<16xf32>
        %swap3A_369 = arith.constant 1 : i32
        %swap3A_370 = arith.index_cast %swap3A_369 : i32 to index
        %swap3A_371 = arith.index_cast %scan3A_237 : i32 to index
        %swap3A_372 = arith.constant 96 : index
        %swap3A_373 = tpu.vector_load %arg9[%swap3A_370, %swap3A_371, %swap3A_372] {strides = array<i32>} : memref<2x40x128xf32, #tpu.memory_space<vmem>>, vector<1x1x16xf32>,
        %swap3A_374 = vector.shape_cast %swap3A_373 : vector<1x1x16xf32> to vector<16xf32>
        %swap3A_375 = vector.shape_cast %mul3A_368 : vector<16xf32> to vector<1x1x16xf32>
        tpu.vector_store %arg9[%swap3A_370, %swap3A_371, %swap3A_372], %swap3A_375 {strides = array<i32>} : memref<2x40x128xf32, #tpu.memory_space<vmem>>, vector<1x1x16xf32>,
        %get3A_376 = arith.constant 1 : i32
        %get3A_377 = arith.index_cast %get3A_376 : i32 to index
        %get3A_378 = arith.index_cast %scan3A_237 : i32 to index
        %get3A_379 = arith.constant 112 : index
        %get3A_380 = tpu.vector_load %arg9[%get3A_377, %get3A_378, %get3A_379] {strides = array<i32>} : memref<2x40x128xf32, #tpu.memory_space<vmem>>, vector<1x1x16xf32>,
        %get3A_381 = vector.shape_cast %get3A_380 : vector<1x1x16xf32> to vector<16xf32>
        %get3A_382 = arith.constant 1 : i32
        %get3A_383 = arith.index_cast %get3A_382 : i32 to index
        %get3A_384 = arith.index_cast %scan3A_237 : i32 to index
        %get3A_385 = arith.constant 112 : index
        %get3A_386 = tpu.vector_load %arg10[%get3A_383, %get3A_384, %get3A_385] {strides = array<i32>} : memref<2x40x128xf32, #tpu.memory_space<vmem>>, vector<1x1x16xf32>,
        %get3A_387 = vector.shape_cast %get3A_386 : vector<1x1x16xf32> to vector<16xf32>
        %mul3A_388 = arith.mulf %get3A_381, %get3A_387 : vector<16xf32>
        %swap3A_389 = arith.constant 1 : i32
        %swap3A_390 = arith.index_cast %swap3A_389 : i32 to index
        %swap3A_391 = arith.index_cast %scan3A_237 : i32 to index
        %swap3A_392 = arith.constant 112 : index
        %swap3A_393 = tpu.vector_load %arg9[%swap3A_390, %swap3A_391, %swap3A_392] {strides = array<i32>} : memref<2x40x128xf32, #tpu.memory_space<vmem>>, vector<1x1x16xf32>,
        %swap3A_394 = vector.shape_cast %swap3A_393 : vector<1x1x16xf32> to vector<16xf32>
        %swap3A_395 = vector.shape_cast %mul3A_388 : vector<16xf32> to vector<1x1x16xf32>
        tpu.vector_store %arg9[%swap3A_390, %swap3A_391, %swap3A_392], %swap3A_395 {strides = array<i32>} : memref<2x40x128xf32, #tpu.memory_space<vmem>>, vector<1x1x16xf32>,
      }
      %scan3A_223 = arith.constant 40 : i32
      %dma_start3A_224 = arith.constant 1 : i32
      %dma_start3A_225 = arith.constant 0 : i32
      %dma_start3A_226 = arith.constant 0 : i32
      %dma_start3A_227 = tpu.memref_slice %arg9[%dma_start3A_224, %dma_start3A_225, %dma_start3A_226] : memref<2x40x128xf32, #tpu.memory_space<vmem>> -> memref<1x40x128xf32, #tpu.memory_space<vmem>>
      %dma_start3A_228 = tpu.memref_squeeze %dma_start3A_227 : memref<1x40x128xf32, #tpu.memory_space<vmem>> -> memref<40x128xf32, #tpu.memory_space<vmem>>
      %dma_start3A_229 = arith.constant 0 : i32
      %dma_start3A_230 = tpu.memref_slice %arg6[%add3A_168, %dma_start3A_229] : memref<320000x128xf32, #tpu.memory_space<hbm>> -> memref<40x128xf32, #tpu.memory_space<hbm>>
      %dma_start3A_231 = arith.constant 0 : i32
      %dma_start3A_232 = tpu.memref_slice %arg6[%add3A_168, %dma_start3A_231] : memref<320000x128xf32, #tpu.memory_space<hbm>> -> memref<40x128xf32, #tpu.memory_space<hbm>>
      %dma_start3A_233 = arith.constant 0 : i32
      %dma_start3A_234 = arith.constant 0 : i32
      %dma_start3A_235 = tpu.memref_slice %arg9[%dma_start3A_224, %dma_start3A_233, %dma_start3A_234] : memref<2x40x128xf32, #tpu.memory_space<vmem>> -> memref<1x40x128xf32, #tpu.memory_space<vmem>>
      %dma_start3A_236 = tpu.memref_squeeze %dma_start3A_235 : memref<1x40x128xf32, #tpu.memory_space<vmem>> -> memref<40x128xf32, #tpu.memory_space<vmem>>
      tpu.enqueue_dma source(%dma_start3A_236 : memref<40x128xf32, #tpu.memory_space<vmem>>) target(%dma_start3A_232 : memref<40x128xf32, #tpu.memory_space<hbm>>) target_semaphore(%arg16 : memref<!tpu.dma_semaphore, #tpu.memory_space<semaphore_mem>>)
    }
    %scan3A_51 = arith.constant 125 : i32
    %dma_wait3A = arith.constant 1 : i32
    %dma_wait3A_52 = arith.constant 0 : i32
    %dma_wait3A_53 = arith.constant 0 : i32
    %dma_wait3A_54 = tpu.memref_slice %arg9[%dma_wait3A, %dma_wait3A_52, %dma_wait3A_53] : memref<2x40x128xf32, #tpu.memory_space<vmem>> -> memref<1x40x128xf32, #tpu.memory_space<vmem>>
    %dma_wait3A_55 = tpu.memref_squeeze %dma_wait3A_54 : memref<1x40x128xf32, #tpu.memory_space<vmem>> -> memref<40x128xf32, #tpu.memory_space<vmem>>
    %dma_wait3A_56 = arith.constant 0 : i32
    %dma_wait3A_57 = arith.constant 0 : i32
    %dma_wait3A_58 = tpu.memref_slice %arg6[%dma_wait3A_56, %dma_wait3A_57] : memref<320000x128xf32, #tpu.memory_space<hbm>> -> memref<40x128xf32, #tpu.memory_space<hbm>>
    %dma_wait3A_59 = arith.constant 0 : i32
    %dma_wait3A_60 = arith.constant 0 : i32
    %dma_wait3A_61 = tpu.memref_slice %arg6[%dma_wait3A_59, %dma_wait3A_60] : memref<320000x128xf32, #tpu.memory_space<hbm>> -> memref<40x128xf32, #tpu.memory_space<hbm>>
    %dma_wait3A_62 = arith.constant 0 : i32
    %dma_wait3A_63 = arith.constant 0 : i32
    %dma_wait3A_64 = tpu.memref_slice %arg9[%dma_wait3A, %dma_wait3A_62, %dma_wait3A_63] : memref<2x40x128xf32, #tpu.memory_space<vmem>> -> memref<1x40x128xf32, #tpu.memory_space<vmem>>
    %dma_wait3A_65 = tpu.memref_squeeze %dma_wait3A_64 : memref<1x40x128xf32, #tpu.memory_space<vmem>> -> memref<40x128xf32, #tpu.memory_space<vmem>>
    tpu.wait_dma2 semaphore(%arg16 : memref<!tpu.dma_semaphore, #tpu.memory_space<semaphore_mem>>) src(%dma_wait3A_65 : memref<40x128xf32, #tpu.memory_space<vmem>>) dst(%dma_wait3A_61 : memref<40x128xf32, #tpu.memory_space<hbm>>)
    return
  }
}

</mosaic_0001>

<sc_bundles>
// kernel: kernel.3.cloned.1.call-start
scs
__scs_entry_jumppad:
0x0: {  	(pc) =	sbr.rel $0x88, $3  }
0x1: {  	(tag) =	ssettag $0x0;
	lr =	simm.s32 $0x1  }
0x2: {  	[smem:$0x3F9E] =	sst lr;
	_ =	strace $0xD0000000  }
0x3: {  	_ = 	snop  }
0x4: {  	_ = 	snop  }
0x5: {  	_ = 	snop  }
0x6: {  	_ = 	snop  }
0x7: {  	_ = 	snop  }
__scs_overlays_trampoline_lowered:
0x8: {  	[smem:$0x3FAD] =	sst s0  }
0x9: {  	[smem:$0x3FAE] =	sst s1  }
0xa: {  	[smem:$0x3FAF] =	sst s2  }
0xb: {  	[smem:$0x3FB0] =	sst s3  }
0xc: {  	[smem:$0x3FB1] =	sst s4  }
0xd: {  	[smem:$0x3FB2] =	sst s5  }
0xe: {  	[smem:$0x3FB3] =	sst s6  }
0xf: {  	[smem:$0x3FB4] =	sst s7  }
0x10: {  	[smem:$0x3FB5] =	sst s8  }
0x11: {  	[smem:$0x3FB6] =	sst s9;
	s0 =	simm.s32 @!p0 $0x0  }
0x12: {  	s1 =	sld [smem:$0x3F9C];
	s0 =	simm.s32 @p0 $0x1  }
0x13: {  	[smem:$0x3FB7] =	sst s0;
	s0 =	simm.s32 @!p1 $0x0  }
0x14: {  	s2 =	sld [smem:$0x3F9B];
	s0 =	simm.s32 @p1 $0x1  }
0x15: {  	[smem:$0x3FB8] =	sst s0;
	s0 =	simm.s32 @!p2 $0x0  }
0x16: {  	s3 =	sld [smem:$0x3FDB];
	s0 =	simm.s32 @p2 $0x1  }
0x17: {  	s4 =	simm.s32 $0x1BF5;
	[smem:$0x3FBA] =	sst s0  }
0x18: {  	s0 =	sld [smem:$0x3F9D];
	_ =	swait.ge [sflag:s4], $0x0  }
0x19: {  	s7 =	sld [smem:$0x3F9E]  }
0x1a: {  	s8 =	sadd.s32 $0xFFFFE003, lr  }
0x1b: {  	s9 =	sadd.s32 $0xFFFFFEF7, lr;
	s5 =	simm.s32 $0xFFFFFFFF;
	p2 =	slt.u32 s8, $0xFFFFF086  }
0x1c: {  	p1 =	slt.u32 s9, $0xF7A;
	s5 =	simm.s32 @!p2 $0x0  }
0x1d: {  	s5 =	simm.s32 @p1 $0x1;
	p0 =	seq.s32 s7, s2  }
0x1e: {  	s7 =	smul.u32 @!p0 $0xF7A, s2;
	p2 =	seq.s32 @!p0 s5, $0x0  }
0x1f: {  	s9 =	smul.u32 $0xF7A, s1;
	s8 =	simm.s32 @!p0 $0x1BF5;
	p2 =	por !p2, p0  }
0x20: {  	[sflag:s8] =	ssyncset.s32 @!p0 $0xFFFFF086;
	s6 =	sadd.s32 @!p0 s3, s7;
	s7 =	simm.s32 @!p0 $0x108  }
0x21: {  	s3 =	sadd.s32 s3, s9;
	s6 =	sadd.s32 @!p0 $0x88, s6;
	s7 =	simm.s32 @p2 $0x1082  }
0x22: {  	[simem:s7], [sflag:s8] =	dma.local @!p0 [hbm:s6], $0xF7A  }
0x23: {  	s9 =	sor.u32 $0xD0000000, s2;
	s6 =	simm.s32 $0x108;
	_ =	swait.ge @!p0 [sflag:s8], $0x0  }
0x24: {  	s3 =	sadd.s32 $0x88, s3;
	s6 =	simm.s32 @!p1 $0x1082;
	[sflag:s4] =	ssyncset.s32 $0xFFFFF086  }
0x25: {  	[simem:s6], [sflag:s4] =	dma.local [hbm:s3], $0xF7A  }
0x26: {  	[smem:$0x3F9E] =	sst s1;
	(tag) =	ssettag s2;
	_ =	strace s9  }
0x27: {  	s1 =	sld [smem:$0x3FAE]  }
0x28: {  	s2 =	sld [smem:$0x3FAF]  }
0x29: {  	s4 =	sld [smem:$0x3FB1]  }
0x2a: {  	p0 =	seq.s32 s5, $0x0;
	s5 =	sld [smem:$0x3FB2]  }
0x2b: {  	s6 =	sld [smem:$0x3FB3]  }
0x2c: {  	s7 =	sld [smem:$0x3FB4]  }
0x2d: {  	s3 =	simm.s32 $0x108;
	s8 =	sld [smem:$0x3FB5]  }
0x2e: {  	s3 =	simm.s32 @!p0 $0x1082;
	s9 =	sld [smem:$0x3FB6]  }
0x2f: {  	lr =	sadd.s32 s0, s3;
	s0 =	sld [smem:$0x3FAD]  }
0x30: {  	s3 =	sld [smem:$0x3FB0]  }
0x31: {  	[smem:$0x3FB9] =	sst s10  }
0x32: {  	s10 =	sld [smem:$0x3FB7];
	_ =	sdelay $0x3  }
0x33: {  	p0 =	seq.s32 s10, $0x1;
	s10 =	sld [smem:$0x3FB9];
	_ =	sdelay $0x3  }
0x34: {  	[smem:$0x3FB9] =	sst s10  }
0x35: {  	s10 =	sld [smem:$0x3FB8];
	_ =	sdelay $0x3  }
0x36: {  	p1 =	seq.s32 s10, $0x1;
	s10 =	sld [smem:$0x3FB9];
	_ =	sdelay $0x3  }
0x37: {  	[smem:$0x3FB9] =	sst s10  }
0x38: {  	s10 =	sld [smem:$0x3FBA]  }
0x39: {  	_ = 	snop;
	(pc) =	sbr.ind lr, $3  }
0x3a: {  	_ = 	snop  }
0x3b: {  	_ = 	snop  }
0x3c: {  	p2 =	seq.s32 s10, $0x1;
	s10 =	sld [smem:$0x3FB9]  }
0x3d: {  	_ =	shalt  }
0x3e: {  	_ =	shalt  }
0x3f: {  	_ =	shalt  }
0x40: {  	_ =	shalt  }
0x41: {  	_ =	shalt  }
0x42: {  	_ =	shalt  }
0x43: {  	_ =	shalt  }
0x44: {  	_ =	shalt  }
0x45: {  	_ =	shalt  }
0x46: {  	_ =	shalt  }
0x47: {  	_ =	shalt  }
0x48: {  	_ =	shalt  }
0x49: {  	_ =	shalt  }
0x4a: {  	_ =	shalt  }
0x4b: {  	_ =	shalt  }
0x4c: {  	_ =	shalt  }
0x4d: {  	_ =	shalt  }
0x4e: {  	_ =	shalt  }
0x4f: {  	_ =	shalt  }
0x50: {  	_ =	shalt  }
0x51: {  	_ =	shalt  }
0x52: {  	_ =	shalt  }
0x53: {  	_ =	shalt  }
0x54: {  	_ =	shalt  }
0x55: {  	_ =	shalt  }
0x56: {  	_ =	shalt  }
0x57: {  	_ =	shalt  }
0x58: {  	_ =	shalt  }
0x59: {  	_ =	shalt  }
0x5a: {  	_ =	shalt  }
0x5b: {  	_ =	shalt  }
0x5c: {  	_ =	shalt  }
0x5d: {  	_ =	shalt  }
0x5e: {  	_ =	shalt  }
0x5f: {  	_ =	shalt  }
0x60: {  	_ =	shalt  }
0x61: {  	_ =	shalt  }
0x62: {  	_ =	shalt  }
0x63: {  	_ =	shalt  }
0x64: {  	_ =	shalt  }
0x65: {  	_ =	shalt  }
0x66: {  	_ =	shalt  }
0x67: {  	_ =	shalt  }
0x68: {  	_ =	shalt  }
0x69: {  	_ =	shalt  }
0x6a: {  	_ =	shalt  }
0x6b: {  	_ =	shalt  }
0x6c: {  	_ =	shalt  }
0x6d: {  	_ =	shalt  }
0x6e: {  	_ =	shalt  }
0x6f: {  	_ =	shalt  }
0x70: {  	_ =	shalt  }
0x71: {  	_ =	shalt  }
0x72: {  	_ =	shalt  }
0x73: {  	_ =	shalt  }
0x74: {  	_ =	shalt  }
0x75: {  	_ =	shalt  }
0x76: {  	_ =	shalt  }
0x77: {  	_ =	shalt  }
0x78: {  	_ =	shalt  }
0x79: {  	_ =	shalt  }
0x7a: {  	_ =	shalt  }
0x7b: {  	_ =	shalt  }
0x7c: {  	_ =	shalt  }
0x7d: {  	_ =	shalt  }
0x7e: {  	_ =	shalt  }
0x7f: {  	_ =	shalt  }
0x80: {  	_ =	shalt  }
0x81: {  	_ =	shalt  }
0x82: {  	_ =	shalt  }
0x83: {  	_ =	shalt  }
0x84: {  	_ =	shalt  }
0x85: {  	_ =	shalt  }
0x86: {  	_ =	shalt  }
0x87: {  	_ =	shalt  }
.Lfunc_end0:
.L_simem_size_0:
called_computation_lowered:
.L_overlay_start_0:
0x88: {  	s2 =	sld [smem:$0x3FD9]  }
0x89: {  	s3 =	sld [smem:$0x3FFE];
	_ =	sdelay $0x1  }
0x8a: {  	s1 =	srdreg.scid  }
0x8b: {  	s0 =	sand.u32 $0x1, s1  }
0x8c: {  	s17 =	sshll.u32 s0, $0xA;
	s2 =	sadd.s32 s3, s2  }
0x8d: {  	s2 =	sadd.s32 s2, s17  }
0x8e: {  	[smem:$0x3FC5] =	sst s2  }
0x8f: {  	_ = 	snop  }
0x90: {  	s2 =	sld [smem:$0x3FC9]  }
0x91: {  	s18 =	sld [smem:$0x3FC8]  }
0x92: {  	s4 =	sld [smem:$0x3FD0];
	(tm) =	ssettm $0x1  }
0x93: {  	s5 =	sld [smem:$0x3FFB];
	_ =	sdelay $0x3  }
0x94: {  	_ =	strace s5  }
0x95: {  	s5 =	sld [smem:$0x3FFC];
	_ =	sdelay $0x3  }
0x96: {  	_ =	strace s5  }
0x97: {  	s5 =	sld [smem:$0x3FFD];
	_ =	sdelay $0x3  }
0x98: {  	_ =	strace s5  }
0x99: {  	_ =	strace $0x8FFFFFFF  }
0x9a: {  	s19 =	sld [smem:$0x3FDB];
	_ =	sdelay $0x1  }
0x9b: {  	s6 =	simm.s32 $_scs_section_size  }
0x9c: {  	s7 =	simm.s32 $_size__tile_overlayer_lowered;
	s8 =	simm.s32 $_tile_overlayer_lowered  }
0x9d: {  	s22 =	simm.s32 $0x1BFF;
	s21 =	sshll.u32 s8, $0x1;
	s5 =	sadd.s32 s6, s19  }
0x9e: {  	s9 =	simm.s32 $0x0;
	s20 =	sshll.u32 s7, $0x1;
	s7 =	sadd.s32 s21, s5  }
0x9f: {  	[timem:s9], [sflag:s22] =	dma.local [hbm:s7], s20  }
0xa0: {  	_ =	swait.ge [sflag:s22], s20  }
0xa1: {  	s6 =	ssub.s32 $0x0, s20;
	[sflag:s22] =	ssyncset.done $0x0  }
0xa2: {  	[sflag:s22] =	ssyncadd.s32 s6;
	_ =	sdelay $0x1  }
0xa3: {  	s23 =	simm.s32 $0x1B8B  }
0xa4: {  	_ =	swait.ge [sflag:s23], $0x1  }
0xa5: {  	[sflag:s23] =	ssyncset.done $0x0  }
0xa6: {  	s25 =	simm.s32 $0x1B8E;
	s24 =	sld [smem:$0x3FFE];
	[sflag:s23] =	ssyncadd.s32 $0xFFFFFFFF  }
0xa7: {  	s26 =	simm.s32 $execute0_lowered;
	[smem:$0x3FD2] =	sst s25  }
0xa8: {  	s7 =	sshll.u32 s26, $0x1;
	_ =	strace $0x80000046;
	[dreg:$0x1] =	wrdreg $0xFFFFFFFF  }
0xa9: {  	s28 =	simm.s32 $_size_execute0_lowered;
	s5 =	sadd.s32 s5, s7;
	[dreg:$0x0] =	wrdreg $0x0  }
0xaa: {  	s7 =	sshll.u32 s28, $0x1;
	[dreg:$0x2] =	wrdreg s5  }
0xab: {  	[dreg:$0x3] =	wrdreg s7  }
0xac: {  	[dreg:$0x4] =	wrdreg $0xC0  }
0xad: {  	_ =	task [dreg:s9], $0x5FFFF  }
0xae: {  	[dreg:$0x1] =	wrdreg $0xFFFFFFFF  }
0xaf: {  	[dreg:$0x0] =	wrdreg $0x60  }
0xb0: {  	[dreg:$0x2] =	wrdreg s2  }
0xb1: {  	[dreg:$0x3] =	wrdreg s18  }
0xb2: {  	[dreg:$0x4] =	wrdreg s24  }
0xb3: {  	[dreg:$0x5] =	wrdreg s4  }
0xb4: {  	[dreg:$0x6] =	wrdreg $0x9  }
0xb5: {  	_ =	task.clear_ibuf [dreg:s9], $0x7FFFF;
	_ =	strace $0x90000046  }
0xb6: {  	s29 =	simm.s32 $0x9;
	_ =	strace $0x80000048  }
0xb7: {  	_ =	swait.ge [sflag:s29], $0x1  }
0xb8: {  	[sflag:s29] =	ssyncadd.s32 $0xFFFFFFFF  }
0xb9: {  	_ =	strace $0x90000048  }
0xba: {  	_ =	sfence  }
0xbb: {  	s30 =	sld [smem:$0x0];
	_ =	sdelay $0x2  }
0xbc: {  	s31 =	sshll.u32 s1, $0xD;
	s1 =	sshrl.u32 s1, $0x2  }
0xbd: {  	s3 =	sand.u32 $0x4000, s31;
	s1 =	sadd.s32 s1, s30  }
0xbe: {  	s0 =	sor.u32 s3, s0;
	s1 =	sshll.u32 s1, $0x11  }
0xbf: {  	s0 =	sor.u32 s1, s0  }
0xc0: {  	s0 =	sadd.s32 $0x8F2B, s0  }
0xc1: {  	[sflag:s0] =	ssyncadd.remote.s32 $0x1  }
0xc2: {  	_ =	sfence.sel $0xFFFF  }
0xc3: {  	[dreg:$0x0] =	wrdreg $0xFFFFFFFF;
	(pc) =	sbr.abs _section_cstart, $3  }
0xc4: {  	[dreg:$0x1] =	wrdreg $0xFFFFFFFF  }
0xc5: {  	_ =	task.clear_ibuf [dreg:s9], $0x2FFFF;
	_ =	strace $0x9FFFFFFF  }
0xc6: {  	(tm) =	ssettm $0x7FFFFFFF  }
0xc7: {  	_ =	shalt  }
tec
execute0_lowered:
.L_overlay_start_1:
0x0: {  	(tag) =	ssettag $0x1  }
0x1: {  	s1 =	rddreg [dreg:$0x0]  }
0x2: {  	s2 =	rddreg [dreg:$0x1]  }
0x3: {  	s4 =	rddreg [dreg:$0x2];
	s0 =	srdreg.scid  }
0x4: {  	s3 =	stileid.u32;
	s5 =	rddreg [dreg:$0x3];
	s6 =	simm.s32 $0x0  }
0x5: {  	s15 =	simm.s32 $0x9;
	s16 =	simm.s32 $0x100;
	s17 =	simm.s32 $0x28  }
0x6: {  	s18 =	simm.s32 $0x200;
	s20 =	simm.s32 $0x80;
	s21 =	simm.s32 $0x180  }
0x7: {  	s22 =	simm.s32 $0x8;
	s23 =	simm.s32 $0x1600;
	s28 =	simm.s32 $0x5  }
0x8: {  	s29 =	simm.s32 $0x6;
	s0 =	sand.u32 $0x1, s0;
	s3 =	sshll.u32 s3, $0x1  }
0x9: {  	s30 =	simm.s32 $0x0;
	[smem:$0x7FF] =	sst s6;
	s3 =	sor.u32 s0, s3  }
0xa: {  	s8 =	sadd.s32 $0x9E00, s4;
	s0 =	ssub.s32 $0x2, s0;
	s7 =	smul.u32 $0x2710, s3  }
0xb: {  	s13 =	sadd.s32 $0x280, s5;
	_ =	strace $0x80000047;
	s24 =	sshrl.u32 s0, $0x1  }
0xc: {  	s0 =	ssub.s32 s0, s24;
	s24 =	simm.s32 $0x3E00;
	s25 =	sshrl.u32 s7, $0x3  }
0xd: {  	s9 =	sadd.s32 $0x28, s7;
	s14 =	smax.u32 s0, $0x1;
	s26 =	sadd.s32 s8, s25  }
0xe: {  	s12 =	sshrl.u32 s9, $0x3;
	s3 =	sadd.s32 s4, s25;
	[dreg:$0x5] =	wrdreg s26  }
0xf: {  	s25 =	simm.s32 $0x1;
	[dreg:$0x6] =	wrdreg s3;
	s31 =	sadd.s32 s8, s12  }
0x10: {  	s12 =	sadd.s32 s4, s12;
	s26 =	simm.s32 $0x2;
	[dreg:$0x7] =	wrdreg s31  }
.LBB2_1:
0x11: {  	s0 =	rddreg [dreg:$0x5]  }
0x12: {  	[tilespmem:s6], [sflag:$0x9] =	stream.linear.gather [hbm4b:s0+s6], $0x28, $0x38;
	[tilespmem:$0x5200] =	vst v63  }
0x13: {  	_ =	swait.ge [sflag:s15], $0x28  }
0x14: {  	[sflag:s15] =	ssyncset.done $0x0  }
0x15: {  	s10 =	rddreg [dreg:$0x6];
	[sflag:s15] =	ssyncadd.s32 $0xFFFFFFD8  }
0x16: {  	[tilespmem:s16], [sflag:$0x9] =	stream.linear.gather [hbm4b:s10+s6], $0x28, $0x38;
	[tilespmem:$0x5200] =	vst v63  }
0x17: {  	_ =	swait.ge [sflag:s15], $0x28  }
0x18: {  	[sflag:s15] =	ssyncset.done $0x0  }
0x19: {  	[sflag:s15] =	ssyncadd.s32 $0xFFFFFFD8  }
0x1a: {  	[tilespmem:s18], [sflag:$0x1] =	stream.indirect.gather [hbm4b:s1+s17], $0x80, s6, s17, $0xb8;
	[tilespmem:$0x5200] =	vst v63  }
0x1b: {  	s11 =	simm.s32 $0x2A00  }
0x1c: {  	[tilespmem:s11], [sflag:$0x2] =	stream.indirect.gather [hbm4b:s2+s17], $0x80, s16, s17, $0xb8;
	[tilespmem:$0x5200] =	vst v63  }
0x1d: {  	s19 =	rddreg [dreg:$0x7]  }
0x1e: {  	[tilespmem:s20], [sflag:$0x8] =	stream.linear.gather [hbm4b:s19+s6], $0x28, $0x38;
	[tilespmem:$0x5200] =	vst v63  }
0x1f: {  	s31 =	simm.s32 $0x0  }
0x20: {  	[tilespmem:s21], [sflag:$0x8] =	stream.linear.gather [hbm4b:s12+s6], $0x28, $0x38;
	[tilespmem:$0x5200] =	vst v63  }
.LBB2_2:
0x21: {  	p0 =	seq.s32 s31, $0x0  }
0x22: {  	s0 =	simm.s32 @!p0 $0x6  }
0x23: {  	_ =	swait.ge @!p0 [sflag:s0], $0x1400  }
0x24: {  	[sflag:s0] =	ssyncset.done @!p0 $0x0  }
0x25: {  	[sflag:s0] =	ssyncadd.s32 @!p0 $0xFFFFEC00  }
0x26: {  	_ =	swait.ge [sflag:s22], $0x28  }
0x27: {  	[sflag:s22] =	ssyncset.done $0x0  }
0x28: {  	[sflag:s22] =	ssyncadd.s32 $0xFFFFFFD8  }
0x29: {  	_ =	swait.ge [sflag:s22], $0x28  }
0x2a: {  	[sflag:s22] =	ssyncset.done $0x0  }
0x2b: {  	[sflag:s22] =	ssyncadd.s32 $0xFFFFFFD8  }
0x2c: {  	[tilespmem:s23], [sflag:$0x3] =	stream.indirect.gather [hbm4b:s1+s17], $0x80, s20, s17, $0xb8;
	[tilespmem:$0x5200] =	vst v63  }
0x2d: {  	_ = 	snop  }
0x2e: {  	[tilespmem:s24], [sflag:$0x4] =	stream.indirect.gather [hbm4b:s2+s17], $0x80, s21, s17, $0xb8;
	[tilespmem:$0x5200] =	vst v63  }
0x2f: {  	s19 =	smul.u32 $0x50, s31;
	_ =	swait.ge [sflag:s25], $0x1400  }
0x30: {  	[sflag:s25] =	ssyncset.done $0x0  }
0x31: {  	s3 =	sadd.s32 s7, s19;
	p0 =	seq.s32 s31, $0x7C;
	[sflag:s25] =	ssyncadd.s32 $0xFFFFEC00  }
0x32: {  	s0 =	sshrl.u32 @!p0 s3, $0x3;
	_ =	swait.ge [sflag:s26], $0x1400  }
0x33: {  	s0 =	sadd.s32 @!p0 $0xA, s0;
	[sflag:s26] =	ssyncset.done $0x0  }
0x34: {  	s9 =	simm.s32 @!p0 $0x0;
	s19 =	sadd.s32 @!p0 s8, s0;
	[sflag:s26] =	ssyncadd.s32 $0xFFFFEC00  }
0x35: {  	[tilespmem:s9], [sflag:$0x7] =	stream.linear.gather @!p0 [hbm4b:s19+s9], $0x28, $0x38;
	[tilespmem:$0x5200] =	vst v63  }
0x36: {  	s0 =	sadd.s32 @!p0 s4, s0;
	s19 =	simm.s32 @!p0 $0x100  }
0x37: {  	[tilespmem:s19], [sflag:$0x7] =	stream.linear.gather @!p0 [hbm4b:s0+s9], $0x28, $0x38;
	[tilespmem:$0x5200] =	vst v63  }
0x38: {  	s19 =	simm.s32 $0x0  }
0x39: {  	v7 =	vld [tilespmem:s19+$0x2A00]  }
0x3a: {  	v11 =	vld [tilespmem:s19+$0x2A10]  }
0x3b: {  	v5 =	vld [tilespmem:s19+$0x2A20]  }
0x3c: {  	v4 =	vld [tilespmem:s19+$0x2A30]  }
0x3d: {  	v3 =	vld [tilespmem:s19+$0x2A40]  }
0x3e: {  	v2 =	vld [tilespmem:s19+$0x2A50]  }
0x3f: {  	v1 =	vld [tilespmem:s19+$0x2A60]  }
0x40: {  	v0 =	vld [tilespmem:s19+$0x2A70]  }
0x41: {  	v12 =	vld [tilespmem:s19+$0x200]  }
0x42: {  	v13 =	vld [tilespmem:s19+$0x210]  }
0x43: {  	v10 =	vld [tilespmem:s19+$0x220]  }
0x44: {  	v9 =	vld [tilespmem:s19+$0x230]  }
0x45: {  	v8 =	vld [tilespmem:s19+$0x240]  }
0x46: {  	v6 =	vld [tilespmem:s19+$0x250];
	v12 =	vmul.f32 v7, v12  }
0x47: {  	s0 =	simm.s32 $0x200;
	v11 =	vmul.f32 v11, v13;
	v7 =	vld [tilespmem:s19+$0x260]  }
.LBB2_3:
0x48: {  	s9 =	sshra.s32 s0, $0x2;
	p1 =	sne.s32 s0, $0x4E00;
	[tilespmem:s19+$0x200] =	vst v12;
	v5 =	vmul.f32 v5, v10;
	v10 =	vld [tilespmem:s19+$0x270]  }
0x49: {  	v12 =	vld [tilespmem:s9+$0x2A00];
	[tilespmem:s19+$0x210] =	vst v11;
	v4 =	vmul.f32 v4, v9  }
0x4a: {  	v11 =	vld [tilespmem:s9+$0x2A10];
	[tilespmem:s19+$0x220] =	vst v5;
	v3 =	vmul.f32 v3, v8  }
0x4b: {  	v5 =	vld [tilespmem:s9+$0x2A20];
	[tilespmem:s19+$0x230] =	vst v4;
	v2 =	vmul.f32 v2, v6  }
0x4c: {  	v4 =	vld [tilespmem:s9+$0x2A30];
	[tilespmem:s19+$0x240] =	vst v3;
	v1 =	vmul.f32 v1, v7  }
0x4d: {  	v3 =	vld [tilespmem:s9+$0x2A40];
	[tilespmem:s19+$0x250] =	vst v2;
	v0 =	vmul.f32 v0, v10  }
0x4e: {  	v2 =	vld [tilespmem:s9+$0x2A50];
	[tilespmem:s19+$0x260] =	vst v1  }
0x4f: {  	v1 =	vld [tilespmem:s9+$0x2A60];
	[tilespmem:s19+$0x270] =	vst v0;
	s19 =	smov.u32 s9  }
0x50: {  	v0 =	vld [tilespmem:s19+$0x2A70]  }
0x51: {  	v6 =	vld [tilespmem:s19+$0x200]  }
0x52: {  	v7 =	vld [tilespmem:s19+$0x210]  }
.Ltmp0:
0x53: {  	v10 =	vld [tilespmem:s19+$0x220];
	(pc) =	sbr.rel @p1 .LBB2_3-.Ltmp0, $4  }
0x54: {  	v9 =	vld [tilespmem:s19+$0x230]  }
0x55: {  	v8 =	vld [tilespmem:s19+$0x240]  }
0x56: {  	v12 =	vmul.f32 v12, v6;
	v6 =	vld [tilespmem:s19+$0x250]  }
0x57: {  	s0 =	sadd.s32 $0x200, s0;
	v11 =	vmul.f32 v11, v7;
	v7 =	vld [tilespmem:s19+$0x260]  }
0x58: {  	[tilespmem:s19+$0x200] =	vst v12;
	v5 =	vmul.f32 v5, v10;
	v10 =	vld [tilespmem:s19+$0x270]  }
0x59: {  	[tilespmem:s19+$0x210] =	vst v11;
	v4 =	vmul.f32 v4, v9  }
0x5a: {  	[tilespmem:s19+$0x220] =	vst v5;
	v3 =	vmul.f32 v3, v8  }
0x5b: {  	[tilespmem:s19+$0x230] =	vst v4;
	v2 =	vmul.f32 v2, v6  }
0x5c: {  	[tilespmem:s19+$0x240] =	vst v3;
	v1 =	vmul.f32 v1, v7  }
0x5d: {  	[tilespmem:s19+$0x250] =	vst v2;
	v0 =	vmul.f32 v0, v10  }
0x5e: {  	s0 =	sshll.u32 s3, $0x4;
	[tilespmem:s19+$0x260] =	vst v1  }
0x5f: {  	s9 =	sadd.s32 s5, s0;
	[tilespmem:s19+$0x270] =	vst v0  }
0x60: {  	[hbm4b:s9+s6] =	stream.linear.scatter [tilespmem:s18], [sflag:$0x5], $0x1400, $0x38;
	[tilespmem:$0x5200] =	vst v63  }
0x61: {  	_ =	swait.ge [sflag:s28], $0x1400  }
0x62: {  	[sflag:s28] =	ssyncset.done $0x0  }
0x63: {  	s9 =	simm.s32 @p0 $0x3;
	[sflag:s28] =	ssyncadd.s32 $0xFFFFEC00  }
0x64: {  	_ =	swait.ge @p0 [sflag:s9], $0x1400  }
0x65: {  	[sflag:s9] =	ssyncset.done @p0 $0x0  }
0x66: {  	[sflag:s9] =	ssyncadd.s32 @p0 $0xFFFFEC00;
	s9 =	simm.s32 @p0 $0x4  }
0x67: {  	_ =	swait.ge @p0 [sflag:s9], $0x1400  }
0x68: {  	[sflag:s9] =	ssyncset.done @p0 $0x0  }
0x69: {  	[sflag:s9] =	ssyncadd.s32 @p0 $0xFFFFEC00;
	s9 =	simm.s32 @!p0 $0x7  }
0x6a: {  	_ =	swait.ge @!p0 [sflag:s9], $0x28  }
0x6b: {  	[sflag:s9] =	ssyncset.done @!p0 $0x0  }
0x6c: {  	[sflag:s9] =	ssyncadd.s32 @!p0 $0xFFFFFFD8  }
0x6d: {  	_ =	swait.ge @!p0 [sflag:s9], $0x28  }
0x6e: {  	s10 =	simm.s32 @!p0 $0x200;
	[sflag:s9] =	ssyncset.done @!p0 $0x0  }
0x6f: {  	s19 =	simm.s32 @!p0 $0x0;
	[sflag:s9] =	ssyncadd.s32 @!p0 $0xFFFFFFD8;
	s9 =	simm.s32 @!p0 $0x28  }
0x70: {  	[tilespmem:s10], [sflag:$0x1] =	stream.indirect.gather @!p0 [hbm4b:s1+s9], $0x80, s19, s9, $0xb8;
	[tilespmem:$0x5200] =	vst v63  }
0x71: {  	s11 =	simm.s32 @!p0 $0x2A00;
	s10 =	simm.s32 @!p0 $0x100  }
0x72: {  	[tilespmem:s11], [sflag:$0x2] =	stream.indirect.gather @!p0 [hbm4b:s2+s9], $0x80, s10, s9, $0xb8;
	[tilespmem:$0x5200] =	vst v63  }
0x73: {  	s9 =	simm.s32 @!p0 $0x3  }
0x74: {  	_ =	swait.ge @!p0 [sflag:s9], $0x1400  }
0x75: {  	[sflag:s9] =	ssyncset.done @!p0 $0x0  }
0x76: {  	[sflag:s9] =	ssyncadd.s32 @!p0 $0xFFFFEC00;
	s9 =	simm.s32 @!p0 $0x4  }
0x77: {  	s3 =	sadd.s32 @!p0 $0x78, s3;
	_ =	swait.ge @!p0 [sflag:s9], $0x1400  }
0x78: {  	s3 =	sshrl.u32 @!p0 s3, $0x3;
	[sflag:s9] =	ssyncset.done @!p0 $0x0  }
0x79: {  	s10 =	simm.s32 @!p0 $0x80;
	[sflag:s9] =	ssyncadd.s32 @!p0 $0xFFFFEC00;
	s9 =	sadd.s32 @!p0 s8, s3  }
0x7a: {  	[tilespmem:s10], [sflag:$0x8] =	stream.linear.gather @!p0 [hbm4b:s9+s19], $0x28, $0x38;
	[tilespmem:$0x5200] =	vst v63  }
0x7b: {  	s3 =	sadd.s32 @!p0 s4, s3;
	s9 =	simm.s32 @!p0 $0x180  }
0x7c: {  	[tilespmem:s9], [sflag:$0x8] =	stream.linear.gather @!p0 [hbm4b:s3+s19], $0x28, $0x38;
	[tilespmem:$0x5200] =	vst v63  }
0x7d: {  	s3 =	simm.s32 $0x0  }
0x7e: {  	v7 =	vld [tilespmem:s3+$0x3E00]  }
0x7f: {  	v11 =	vld [tilespmem:s3+$0x3E10]  }
0x80: {  	v5 =	vld [tilespmem:s3+$0x3E20]  }
0x81: {  	v4 =	vld [tilespmem:s3+$0x3E30]  }
0x82: {  	v3 =	vld [tilespmem:s3+$0x3E40]  }
0x83: {  	v2 =	vld [tilespmem:s3+$0x3E50]  }
0x84: {  	v1 =	vld [tilespmem:s3+$0x3E60]  }
0x85: {  	v0 =	vld [tilespmem:s3+$0x3E70]  }
0x86: {  	v12 =	vld [tilespmem:s3+$0x1600]  }
0x87: {  	v13 =	vld [tilespmem:s3+$0x1610]  }
0x88: {  	v10 =	vld [tilespmem:s3+$0x1620]  }
0x89: {  	v9 =	vld [tilespmem:s3+$0x1630]  }
0x8a: {  	v8 =	vld [tilespmem:s3+$0x1640]  }
0x8b: {  	v6 =	vld [tilespmem:s3+$0x1650];
	v12 =	vmul.f32 v7, v12  }
0x8c: {  	s19 =	simm.s32 $0x200;
	v11 =	vmul.f32 v11, v13;
	v7 =	vld [tilespmem:s3+$0x1660]  }
.LBB2_5:
0x8d: {  	s9 =	sshra.s32 s19, $0x2;
	p0 =	sne.s32 s19, $0x4E00;
	[tilespmem:s3+$0x1600] =	vst v12;
	v5 =	vmul.f32 v5, v10;
	v10 =	vld [tilespmem:s3+$0x1670]  }
0x8e: {  	v12 =	vld [tilespmem:s9+$0x3E00];
	[tilespmem:s3+$0x1610] =	vst v11;
	v4 =	vmul.f32 v4, v9  }
0x8f: {  	v11 =	vld [tilespmem:s9+$0x3E10];
	[tilespmem:s3+$0x1620] =	vst v5;
	v3 =	vmul.f32 v3, v8  }
0x90: {  	v5 =	vld [tilespmem:s9+$0x3E20];
	[tilespmem:s3+$0x1630] =	vst v4;
	v2 =	vmul.f32 v2, v6  }
0x91: {  	v4 =	vld [tilespmem:s9+$0x3E30];
	[tilespmem:s3+$0x1640] =	vst v3;
	v1 =	vmul.f32 v1, v7  }
0x92: {  	v3 =	vld [tilespmem:s9+$0x3E40];
	[tilespmem:s3+$0x1650] =	vst v2;
	v0 =	vmul.f32 v0, v10  }
0x93: {  	v2 =	vld [tilespmem:s9+$0x3E50];
	[tilespmem:s3+$0x1660] =	vst v1  }
0x94: {  	v1 =	vld [tilespmem:s9+$0x3E60];
	[tilespmem:s3+$0x1670] =	vst v0;
	s3 =	smov.u32 s9  }
0x95: {  	v0 =	vld [tilespmem:s3+$0x3E70]  }
0x96: {  	v6 =	vld [tilespmem:s3+$0x1600]  }
0x97: {  	v7 =	vld [tilespmem:s3+$0x1610]  }
.Ltmp1:
0x98: {  	v10 =	vld [tilespmem:s3+$0x1620];
	(pc) =	sbr.rel @p0 .LBB2_5-.Ltmp1, $4  }
0x99: {  	v9 =	vld [tilespmem:s3+$0x1630]  }
0x9a: {  	v8 =	vld [tilespmem:s3+$0x1640]  }
0x9b: {  	v12 =	vmul.f32 v12, v6;
	v6 =	vld [tilespmem:s3+$0x1650]  }
0x9c: {  	s19 =	sadd.s32 $0x200, s19;
	v11 =	vmul.f32 v11, v7;
	v7 =	vld [tilespmem:s3+$0x1660]  }
0x9d: {  	[tilespmem:s3+$0x1600] =	vst v12;
	v5 =	vmul.f32 v5, v10;
	v63 =	vld [tilespmem:s3+$0x1670]  }
0x9e: {  	[tilespmem:s3+$0x1610] =	vst v11;
	v4 =	vmul.f32 v4, v9  }
0x9f: {  	s31 =	sadd.s32 $0x1, s31;
	[tilespmem:s3+$0x1620] =	vst v5;
	v3 =	vmul.f32 v3, v8  }
0xa0: {  	p0 =	sne.s32 s31, $0x7D;
	[tilespmem:s3+$0x1630] =	vst v4;
	v2 =	vmul.f32 v2, v6  }
.Ltmp2:
0xa1: {  	[tilespmem:s3+$0x1640] =	vst v3;
	v1 =	vmul.f32 v1, v7;
	(pc) =	sbr.rel @p0 .LBB2_2-.Ltmp2, $4  }
0xa2: {  	[tilespmem:s3+$0x1650] =	vst v2;
	v0 =	vmul.f32 v0, v63  }
0xa3: {  	[tilespmem:s3+$0x1660] =	vst v1  }
0xa4: {  	s0 =	sadd.s32 s0, s13;
	[tilespmem:s3+$0x1670] =	vst v0  }
0xa5: {  	[hbm4b:s0+s6] =	stream.linear.scatter [tilespmem:s23], [sflag:$0x6], $0x1400, $0x38;
	[tilespmem:$0x5200] =	vst v63  }
0xa6: {  	s30 =	sadd.s32 $0x1, s30  }
0xa7: {  	p0 =	sne.s32 s30, s14  }
.Ltmp3:
0xa8: {  	_ = 	snop;
	(pc) =	sbr.rel @p0 .LBB2_1-.Ltmp3, $4  }
0xa9: {  	_ = 	snop  }
0xaa: {  	_ =	swait.ge [sflag:s29], $0x1400  }
0xab: {  	[sflag:s29] =	ssyncset.done $0x0  }
0xac: {  	[sflag:s29] =	ssyncadd.s32 $0xFFFFEC00  }
0xad: {  	_ =	sfence.sel $0x180000  }
0xae: {  	[bflag:$0x0] =	sbarrier.arrive $0xFFFF  }
0xaf: {  	_ =	strace $0x90000047  }
0xb0: {  	s0 =	stileid.u32;
	[bflag:$0x2] =	sbarrier.arrive $0xFFFF  }
0xb1: {  	p0 =	sne.s32 s0, $0x0;
	s0 =	rddreg [dreg:$0x4]  }
0xb2: {  	s0 =	sadd.s32 @!p0 $0x100000, s0  }
0xb3: {  	[sflag:s0] =	ssyncadd.tile.s32 @!p0 $0x1;
	_ =	shalt  }
.Lfunc_end2:
_tile_overlayer_lowered:
.L_overlay_start_2:
0xb4: {  	(tag) =	ssettag $0x2  }
0xb5: {  	s0 =	rddreg [dreg:$0x0];
	s2 =	stileid.u32  }
0xb6: {  	s1 =	rddreg [dreg:$0x1];
	p0 =	sne.s32 s2, $0x0  }
0xb7: {  	s3 =	rddreg [dreg:$0x2];
	[bflag:$0x3] =	sbarrier.arrive $0xFFFF;
	s2 =	simm.s32 @!p0 $0x1C09  }
0xb8: {  	[timem:s3], [sflag:s2] =	dma.local @!p0 [hbm:s0], s1  }
0xb9: {  	s0 =	simm.s32 @!p0 $0x9  }
0xba: {  	_ =	swait.ge @!p0 [sflag:s0], s1  }
0xbb: {  	s1 =	ssub.s32 @!p0 $0x0, s1;
	[sflag:s0] =	ssyncset.done @!p0 $0x0  }
0xbc: {  	[sflag:s0] =	ssyncadd.s32 @!p0 s1  }
0xbd: {  	[bflag:$0x3] =	sbarrier.arrive $0xFFFF  }
0xbe: {  	_ =	shalt  }

</sc_bundles>
